<compile_context>
chip_gen: v7x
topology: tpu7x:2x2x1
jax: 0.10.2.dev20260603
libtpu: 0.0.44.dev20260713+nightly
codegen_flags: <defaults>
</compile_context>

<pallas_src>
import functools

import jax
import jax.numpy as jnp
from jax import lax
from jax.experimental import pallas as pl
from jax.experimental.pallas import tpu as pltpu
from jax.experimental.pallas import tpu_sc as plsc

_S = 400.0
_L = 16


@functools.cache
def _make_kernel(V, D, B):
    NC, NS = 2, 16
    NW = NC * NS
    assert B % (8 * NW) == 0 and D % _L == 0
    b_per_w = B // NW
    mesh = plsc.VectorSubcoreMesh(core_axis_name="c", subcore_axis_name="s")

    NCH = 4
    CB = b_per_w // NCH

    @functools.partial(
        pl.kernel,
        mesh=mesh,
        out_type=jax.ShapeDtypeStruct((B, D), jnp.float32),
        scratch_types=[
            pltpu.VMEM((b_per_w,), jnp.int32),
            pltpu.VMEM((b_per_w, D), jnp.float32),
            pltpu.SemaphoreType.DMA((NCH,)),
            pltpu.SemaphoreType.DMA((NCH,)),
        ],
    )
    def gather_sigmoid(idx_hbm, table_hbm, out_hbm, idx_v, rows_v, gsem, wsem):
        wid = lax.axis_index("s") * NC + lax.axis_index("c")
        base = wid * b_per_w
        pltpu.sync_copy(idx_hbm.at[pl.ds(base, b_per_w)], idx_v)

        gathers = [
            pltpu.async_copy(
                table_hbm.at[idx_v.at[pl.ds(c * CB, CB)]],
                rows_v.at[pl.ds(c * CB, CB)],
                gsem.at[c],
            )
            for c in range(NCH)
        ]

        writes = []
        for c in range(NCH):
            gathers[c].wait()

            @plsc.parallel_loop(c * CB, (c + 1) * CB, step=1, unroll=2)
            def _(r):
                for j in range(D // _L):
                    h = rows_v[r, pl.ds(j * _L, _L)]
                    z = jnp.exp(h * -_S)
                    rows_v[r, pl.ds(j * _L, _L)] = 1.0 / (1.0 + z)
            writes.append(
                pltpu.async_copy(
                    rows_v.at[pl.ds(c * CB, CB)],
                    out_hbm.at[pl.ds(base + c * CB, CB)],
                    wsem.at[c],
                )
            )
        for w in writes:
            w.wait()

    return gather_sigmoid


def kernel(t, table):
    (B,) = t.shape
    V, D = table.shape
    return _make_kernel(V, D, B)(t.astype(jnp.int32), table)

# --- scband reference (transcript-rebuilt; emitter-appended) ---
"""Pipeline reference for scband-hatmask-30666066493837 (READ-ONLY COPY).

The authoritative reference and input builder live on the scoring server;
editing this copy changes nothing except your own understanding.
"""

import jax, jax.numpy as jnp
import numpy as np

NB_TASKS = 100000
SIZE = 128
BATCH = 16384
DEFAULT_S = 400.0
USAGE = 0.5


def setup_inputs(seed: int = 0) -> dict:
    key = jax.random.key(seed)
    k1, k2 = jax.random.split(key)
    t = jax.random.randint(k1, (BATCH,), 0, NB_TASKS)
    # nn.Embedding.reset_parameters -> N(0, 1); then += log(usage/(1-usage)) bias
    bias = float(np.log(USAGE / (1.0 - USAGE)))  # = 0.0 for usage=0.5
    table = jax.random.normal(k2, (NB_TASKS, SIZE), dtype=jnp.float32) + bias
    return {"t": t, "table": table}


def reference(t, table):
    # h = task_embedding(t); mask = sigmoid(s * h)
    h = jnp.take(table, t, axis=0)
    mask = jax.nn.sigmoid(DEFAULT_S * h)
    return mask

if __name__ == "__main__":
    import jax
    _d = setup_inputs()
    print(jax.jit(kernel)(*tuple(_d.values())))

</pallas_src>

<mosaic_0001>
#map = affine_map<(d0, d1) -> (0)>
#map1 = affine_map<(d0, d1) -> (0, 0)>
module attributes {stable_mosaic.version = 14 : i64} {
  func.func @gather_sigmoid(%arg0: i32, %arg1: i32, %arg2: memref<16384xi32, #tpu.memory_space<hbm>>, %arg3: memref<100000x128xf32, #tpu.memory_space<hbm>>, %arg4: memref<16384x128xf32, #tpu.memory_space<hbm>>, %arg5: memref<512xi32, #tpu.memory_space<vmem>>, %arg6: memref<512x128xf32, #tpu.memory_space<vmem>>, %arg7: memref<4x!tpu.dma_semaphore, #tpu.memory_space<semaphore_mem>>, %arg8: memref<4x!tpu.dma_semaphore, #tpu.memory_space<semaphore_mem>>) attributes {dimension_semantics = [#tpu.dimension_semantics<core_parallel>, #tpu.dimension_semantics<subcore_parallel>], iteration_bounds = array<i64: 2, 16>, scalar_prefetch = 0 : i64, scratch_operands = 4 : i64, tpu.core_type = #tpu.core_type<sc_vector_subcore>, window_params = [{transform_indices = #map}, {transform_indices = #map1}, {transform_indices = #map1}]} {
    %mul3A = arith.constant 2 : i32
    %mul3A_0 = arith.muli %arg1, %mul3A : i32
    %add3A = arith.addi %mul3A_0, %arg0 : i32
    %mul3A_1 = arith.constant 512 : i32
    %mul3A_2 = arith.muli %add3A, %mul3A_1 : i32
    "tpu.region"() ({
      %run_scoped3A = tpu.sem_alloc : memref<!tpu.dma_semaphore, #tpu.memory_space<semaphore_mem>>
      %dma_start3A_212 = tpu.memref_slice %arg2[%mul3A_2] : memref<16384xi32, #tpu.memory_space<hbm>> -> memref<512xi32, #tpu.memory_space<hbm>>
      %dma_start3A_213 = tpu.memref_slice %arg2[%mul3A_2] : memref<16384xi32, #tpu.memory_space<hbm>> -> memref<512xi32, #tpu.memory_space<hbm>>
      tpu.enqueue_dma source(%dma_start3A_213 : memref<512xi32, #tpu.memory_space<hbm>>) target(%arg5 : memref<512xi32, #tpu.memory_space<vmem>>) target_semaphore(%run_scoped3A : memref<!tpu.dma_semaphore, #tpu.memory_space<semaphore_mem>>)
      %dma_wait3A_214 = tpu.memref_slice %arg2[%mul3A_2] : memref<16384xi32, #tpu.memory_space<hbm>> -> memref<512xi32, #tpu.memory_space<hbm>>
      %dma_wait3A_215 = tpu.memref_slice %arg2[%mul3A_2] : memref<16384xi32, #tpu.memory_space<hbm>> -> memref<512xi32, #tpu.memory_space<hbm>>
      tpu.wait_dma2 semaphore(%run_scoped3A : memref<!tpu.dma_semaphore, #tpu.memory_space<semaphore_mem>>) src(%dma_wait3A_215 : memref<512xi32, #tpu.memory_space<hbm>>) dst(%arg5 : memref<512xi32, #tpu.memory_space<vmem>>)
      tpu.yield
    }) : () -> ()
    %dma_start3A = arith.constant 0 : i32
    %dma_start3A_3 = arith.constant 0 : i32
    %dma_start3A_4 = arith.constant 0 : i32
    %dma_start3A_5 = tpu.memref_slice %arg6[%dma_start3A_3, %dma_start3A_4] : memref<512x128xf32, #tpu.memory_space<vmem>> -> memref<128x128xf32, #tpu.memory_space<vmem>>
    %dma_start3A_6 = arith.constant 0 : i32
    %dma_start3A_7 = tpu.memref_slice %arg5[%dma_start3A_6] : memref<512xi32, #tpu.memory_space<vmem>> -> memref<128xi32, #tpu.memory_space<vmem>>
    %dma_start3A_8 = arith.constant 0 : i32
    %dma_start3A_9 = arith.constant 0 : i32
    %dma_start3A_10 = tpu.memref_slice %arg3[%dma_start3A_8, %dma_start3A_9] : memref<100000x128xf32, #tpu.memory_space<hbm>> -> memref<100000x128xf32, #tpu.memory_space<hbm>>
    %dma_start3A_11 = tpu.memref_slice %arg7[%dma_start3A] : memref<4x!tpu.dma_semaphore, #tpu.memory_space<semaphore_mem>> -> memref<1x!tpu.dma_semaphore, #tpu.memory_space<semaphore_mem>>
    %dma_start3A_12 = tpu.memref_squeeze %dma_start3A_11 : memref<1x!tpu.dma_semaphore, #tpu.memory_space<semaphore_mem>> -> memref<!tpu.dma_semaphore, #tpu.memory_space<semaphore_mem>>
    tpu.enqueue_indirect_dma source(%dma_start3A_10 : memref<100000x128xf32, #tpu.memory_space<hbm>>) target(%dma_start3A_5 : memref<128x128xf32, #tpu.memory_space<vmem>>) offsets(%dma_start3A_7 : memref<128xi32, #tpu.memory_space<vmem>>) semaphore(%dma_start3A_12 : memref<!tpu.dma_semaphore, #tpu.memory_space<semaphore_mem>>)
    %dma_start3A_13 = arith.constant 1 : i32
    %dma_start3A_14 = arith.constant 128 : i32
    %dma_start3A_15 = arith.constant 0 : i32
    %dma_start3A_16 = tpu.memref_slice %arg6[%dma_start3A_14, %dma_start3A_15] : memref<512x128xf32, #tpu.memory_space<vmem>> -> memref<128x128xf32, #tpu.memory_space<vmem>>
    %dma_start3A_17 = arith.constant 128 : i32
    %dma_start3A_18 = tpu.memref_slice %arg5[%dma_start3A_17] : memref<512xi32, #tpu.memory_space<vmem>> -> memref<128xi32, #tpu.memory_space<vmem>>
    %dma_start3A_19 = arith.constant 0 : i32
    %dma_start3A_20 = arith.constant 0 : i32
    %dma_start3A_21 = tpu.memref_slice %arg3[%dma_start3A_19, %dma_start3A_20] : memref<100000x128xf32, #tpu.memory_space<hbm>> -> memref<100000x128xf32, #tpu.memory_space<hbm>>
    %dma_start3A_22 = tpu.memref_slice %arg7[%dma_start3A_13] : memref<4x!tpu.dma_semaphore, #tpu.memory_space<semaphore_mem>> -> memref<1x!tpu.dma_semaphore, #tpu.memory_space<semaphore_mem>>
    %dma_start3A_23 = tpu.memref_squeeze %dma_start3A_22 : memref<1x!tpu.dma_semaphore, #tpu.memory_space<semaphore_mem>> -> memref<!tpu.dma_semaphore, #tpu.memory_space<semaphore_mem>>
    tpu.enqueue_indirect_dma source(%dma_start3A_21 : memref<100000x128xf32, #tpu.memory_space<hbm>>) target(%dma_start3A_16 : memref<128x128xf32, #tpu.memory_space<vmem>>) offsets(%dma_start3A_18 : memref<128xi32, #tpu.memory_space<vmem>>) semaphore(%dma_start3A_23 : memref<!tpu.dma_semaphore, #tpu.memory_space<semaphore_mem>>)
    %dma_start3A_24 = arith.constant 2 : i32
    %dma_start3A_25 = arith.constant 256 : i32
    %dma_start3A_26 = arith.constant 0 : i32
    %dma_start3A_27 = tpu.memref_slice %arg6[%dma_start3A_25, %dma_start3A_26] : memref<512x128xf32, #tpu.memory_space<vmem>> -> memref<128x128xf32, #tpu.memory_space<vmem>>
    %dma_start3A_28 = arith.constant 256 : i32
    %dma_start3A_29 = tpu.memref_slice %arg5[%dma_start3A_28] : memref<512xi32, #tpu.memory_space<vmem>> -> memref<128xi32, #tpu.memory_space<vmem>>
    %dma_start3A_30 = arith.constant 0 : i32
    %dma_start3A_31 = arith.constant 0 : i32
    %dma_start3A_32 = tpu.memref_slice %arg3[%dma_start3A_30, %dma_start3A_31] : memref<100000x128xf32, #tpu.memory_space<hbm>> -> memref<100000x128xf32, #tpu.memory_space<hbm>>
    %dma_start3A_33 = tpu.memref_slice %arg7[%dma_start3A_24] : memref<4x!tpu.dma_semaphore, #tpu.memory_space<semaphore_mem>> -> memref<1x!tpu.dma_semaphore, #tpu.memory_space<semaphore_mem>>
    %dma_start3A_34 = tpu.memref_squeeze %dma_start3A_33 : memref<1x!tpu.dma_semaphore, #tpu.memory_space<semaphore_mem>> -> memref<!tpu.dma_semaphore, #tpu.memory_space<semaphore_mem>>
    tpu.enqueue_indirect_dma source(%dma_start3A_32 : memref<100000x128xf32, #tpu.memory_space<hbm>>) target(%dma_start3A_27 : memref<128x128xf32, #tpu.memory_space<vmem>>) offsets(%dma_start3A_29 : memref<128xi32, #tpu.memory_space<vmem>>) semaphore(%dma_start3A_34 : memref<!tpu.dma_semaphore, #tpu.memory_space<semaphore_mem>>)
    %dma_start3A_35 = arith.constant 3 : i32
    %dma_start3A_36 = arith.constant 384 : i32
    %dma_start3A_37 = arith.constant 0 : i32
    %dma_start3A_38 = tpu.memref_slice %arg6[%dma_start3A_36, %dma_start3A_37] : memref<512x128xf32, #tpu.memory_space<vmem>> -> memref<128x128xf32, #tpu.memory_space<vmem>>
    %dma_start3A_39 = arith.constant 384 : i32
    %dma_start3A_40 = tpu.memref_slice %arg5[%dma_start3A_39] : memref<512xi32, #tpu.memory_space<vmem>> -> memref<128xi32, #tpu.memory_space<vmem>>
    %dma_start3A_41 = arith.constant 0 : i32
    %dma_start3A_42 = arith.constant 0 : i32
    %dma_start3A_43 = tpu.memref_slice %arg3[%dma_start3A_41, %dma_start3A_42] : memref<100000x128xf32, #tpu.memory_space<hbm>> -> memref<100000x128xf32, #tpu.memory_space<hbm>>
    %dma_start3A_44 = tpu.memref_slice %arg7[%dma_start3A_35] : memref<4x!tpu.dma_semaphore, #tpu.memory_space<semaphore_mem>> -> memref<1x!tpu.dma_semaphore, #tpu.memory_space<semaphore_mem>>
    %dma_start3A_45 = tpu.memref_squeeze %dma_start3A_44 : memref<1x!tpu.dma_semaphore, #tpu.memory_space<semaphore_mem>> -> memref<!tpu.dma_semaphore, #tpu.memory_space<semaphore_mem>>
    tpu.enqueue_indirect_dma source(%dma_start3A_43 : memref<100000x128xf32, #tpu.memory_space<hbm>>) target(%dma_start3A_38 : memref<128x128xf32, #tpu.memory_space<vmem>>) offsets(%dma_start3A_40 : memref<128xi32, #tpu.memory_space<vmem>>) semaphore(%dma_start3A_45 : memref<!tpu.dma_semaphore, #tpu.memory_space<semaphore_mem>>)
    %dma_wait3A = arith.constant 0 : i32
    %dma_wait3A_46 = arith.constant 0 : i32
    %dma_wait3A_47 = arith.constant 0 : i32
    %dma_wait3A_48 = tpu.memref_slice %arg6[%dma_wait3A_46, %dma_wait3A_47] : memref<512x128xf32, #tpu.memory_space<vmem>> -> memref<128x128xf32, #tpu.memory_space<vmem>>
    %dma_wait3A_49 = arith.constant 0 : i32
    %dma_wait3A_50 = tpu.memref_slice %arg5[%dma_wait3A_49] : memref<512xi32, #tpu.memory_space<vmem>> -> memref<128xi32, #tpu.memory_space<vmem>>
    %dma_wait3A_51 = arith.constant 0 : i32
    %dma_wait3A_52 = arith.constant 0 : i32
    %dma_wait3A_53 = tpu.memref_slice %arg3[%dma_wait3A_51, %dma_wait3A_52] : memref<100000x128xf32, #tpu.memory_space<hbm>> -> memref<100000x128xf32, #tpu.memory_space<hbm>>
    %dma_wait3A_54 = tpu.memref_slice %arg7[%dma_wait3A] : memref<4x!tpu.dma_semaphore, #tpu.memory_space<semaphore_mem>> -> memref<1x!tpu.dma_semaphore, #tpu.memory_space<semaphore_mem>>
    %dma_wait3A_55 = tpu.memref_squeeze %dma_wait3A_54 : memref<1x!tpu.dma_semaphore, #tpu.memory_space<semaphore_mem>> -> memref<!tpu.dma_semaphore, #tpu.memory_space<semaphore_mem>>
    tpu.wait_indirect_dma semaphore(%dma_wait3A_55 : memref<!tpu.dma_semaphore, #tpu.memory_space<semaphore_mem>>) src(%dma_wait3A_53 : memref<100000x128xf32, #tpu.memory_space<hbm>>) dst(%dma_wait3A_48 : memref<128x128xf32, #tpu.memory_space<vmem>>)
    %parallel_loop3A = arith.constant 0 : i32
    %parallel_loop3A_56 = arith.constant 128 : i32
    %parallel_loop3A_57 = arith.constant 1 : i32
    scf.for %parallel_loop3A_212 = %parallel_loop3A to %parallel_loop3A_56 step %parallel_loop3A_57  : i32 {
      %parallel_loop3A_213 = arith.index_cast %parallel_loop3A_212 : i32 to index
      %parallel_loop3A_214 = arith.constant 0 : index
      %parallel_loop3A_215 = tpu.vector_load %arg6[%parallel_loop3A_213, %parallel_loop3A_214] {strides = array<i32>} : memref<512x128xf32, #tpu.memory_space<vmem>>, vector<1x16xf32>,
      %parallel_loop3A_216 = vector.shape_cast %parallel_loop3A_215 : vector<1x16xf32> to vector<16xf32>
      %parallel_loop3A_217 = arith.constant -4.000000e+02 : f32
      %parallel_loop3A_218 = vector.broadcast %parallel_loop3A_217 : f32 to vector<16xf32>
      %parallel_loop3A_219 = arith.mulf %parallel_loop3A_216, %parallel_loop3A_218 : vector<16xf32>
      %parallel_loop3A_220 = math.exp %parallel_loop3A_219 : vector<16xf32>
      %parallel_loop3A_221 = arith.constant 1.000000e+00 : f32
      %parallel_loop3A_222 = vector.broadcast %parallel_loop3A_221 : f32 to vector<16xf32>
      %parallel_loop3A_223 = arith.addf %parallel_loop3A_222, %parallel_loop3A_220 : vector<16xf32>
      %parallel_loop3A_224 = arith.constant 1.000000e+00 : f32
      %parallel_loop3A_225 = vector.broadcast %parallel_loop3A_224 : f32 to vector<16xf32>
      %parallel_loop3A_226 = arith.divf %parallel_loop3A_225, %parallel_loop3A_223 : vector<16xf32>
      %parallel_loop3A_227 = arith.index_cast %parallel_loop3A_212 : i32 to index
      %parallel_loop3A_228 = arith.constant 0 : index
      %parallel_loop3A_229 = tpu.vector_load %arg6[%parallel_loop3A_227, %parallel_loop3A_228] {strides = array<i32>} : memref<512x128xf32, #tpu.memory_space<vmem>>, vector<1x16xf32>,
      %parallel_loop3A_230 = vector.shape_cast %parallel_loop3A_229 : vector<1x16xf32> to vector<16xf32>
      %parallel_loop3A_231 = vector.shape_cast %parallel_loop3A_226 : vector<16xf32> to vector<1x16xf32>
      tpu.vector_store %arg6[%parallel_loop3A_227, %parallel_loop3A_228], %parallel_loop3A_231 {strides = array<i32>} : memref<512x128xf32, #tpu.memory_space<vmem>>, vector<1x16xf32>,
      %parallel_loop3A_232 = arith.index_cast %parallel_loop3A_212 : i32 to index
      %parallel_loop3A_233 = arith.constant 16 : index
      %parallel_loop3A_234 = tpu.vector_load %arg6[%parallel_loop3A_232, %parallel_loop3A_233] {strides = array<i32>} : memref<512x128xf32, #tpu.memory_space<vmem>>, vector<1x16xf32>,
      %parallel_loop3A_235 = vector.shape_cast %parallel_loop3A_234 : vector<1x16xf32> to vector<16xf32>
      %parallel_loop3A_236 = arith.constant -4.000000e+02 : f32
      %parallel_loop3A_237 = vector.broadcast %parallel_loop3A_236 : f32 to vector<16xf32>
      %parallel_loop3A_238 = arith.mulf %parallel_loop3A_235, %parallel_loop3A_237 : vector<16xf32>
      %parallel_loop3A_239 = math.exp %parallel_loop3A_238 : vector<16xf32>
      %parallel_loop3A_240 = arith.constant 1.000000e+00 : f32
      %parallel_loop3A_241 = vector.broadcast %parallel_loop3A_240 : f32 to vector<16xf32>
      %parallel_loop3A_242 = arith.addf %parallel_loop3A_241, %parallel_loop3A_239 : vector<16xf32>
      %parallel_loop3A_243 = arith.constant 1.000000e+00 : f32
      %parallel_loop3A_244 = vector.broadcast %parallel_loop3A_243 : f32 to vector<16xf32>
      %parallel_loop3A_245 = arith.divf %parallel_loop3A_244, %parallel_loop3A_242 : vector<16xf32>
      %parallel_loop3A_246 = arith.index_cast %parallel_loop3A_212 : i32 to index
      %parallel_loop3A_247 = arith.constant 16 : index
      %parallel_loop3A_248 = tpu.vector_load %arg6[%parallel_loop3A_246, %parallel_loop3A_247] {strides = array<i32>} : memref<512x128xf32, #tpu.memory_space<vmem>>, vector<1x16xf32>,
      %parallel_loop3A_249 = vector.shape_cast %parallel_loop3A_248 : vector<1x16xf32> to vector<16xf32>
      %parallel_loop3A_250 = vector.shape_cast %parallel_loop3A_245 : vector<16xf32> to vector<1x16xf32>
      tpu.vector_store %arg6[%parallel_loop3A_246, %parallel_loop3A_247], %parallel_loop3A_250 {strides = array<i32>} : memref<512x128xf32, #tpu.memory_space<vmem>>, vector<1x16xf32>,
      %parallel_loop3A_251 = arith.index_cast %parallel_loop3A_212 : i32 to index
      %parallel_loop3A_252 = arith.constant 32 : index
      %parallel_loop3A_253 = tpu.vector_load %arg6[%parallel_loop3A_251, %parallel_loop3A_252] {strides = array<i32>} : memref<512x128xf32, #tpu.memory_space<vmem>>, vector<1x16xf32>,
      %parallel_loop3A_254 = vector.shape_cast %parallel_loop3A_253 : vector<1x16xf32> to vector<16xf32>
      %parallel_loop3A_255 = arith.constant -4.000000e+02 : f32
      %parallel_loop3A_256 = vector.broadcast %parallel_loop3A_255 : f32 to vector<16xf32>
      %parallel_loop3A_257 = arith.mulf %parallel_loop3A_254, %parallel_loop3A_256 : vector<16xf32>
      %parallel_loop3A_258 = math.exp %parallel_loop3A_257 : vector<16xf32>
      %parallel_loop3A_259 = arith.constant 1.000000e+00 : f32
      %parallel_loop3A_260 = vector.broadcast %parallel_loop3A_259 : f32 to vector<16xf32>
      %parallel_loop3A_261 = arith.addf %parallel_loop3A_260, %parallel_loop3A_258 : vector<16xf32>
      %parallel_loop3A_262 = arith.constant 1.000000e+00 : f32
      %parallel_loop3A_263 = vector.broadcast %parallel_loop3A_262 : f32 to vector<16xf32>
      %parallel_loop3A_264 = arith.divf %parallel_loop3A_263, %parallel_loop3A_261 : vector<16xf32>
      %parallel_loop3A_265 = arith.index_cast %parallel_loop3A_212 : i32 to index
      %parallel_loop3A_266 = arith.constant 32 : index
      %parallel_loop3A_267 = tpu.vector_load %arg6[%parallel_loop3A_265, %parallel_loop3A_266] {strides = array<i32>} : memref<512x128xf32, #tpu.memory_space<vmem>>, vector<1x16xf32>,
      %parallel_loop3A_268 = vector.shape_cast %parallel_loop3A_267 : vector<1x16xf32> to vector<16xf32>
      %parallel_loop3A_269 = vector.shape_cast %parallel_loop3A_264 : vector<16xf32> to vector<1x16xf32>
      tpu.vector_store %arg6[%parallel_loop3A_265, %parallel_loop3A_266], %parallel_loop3A_269 {strides = array<i32>} : memref<512x128xf32, #tpu.memory_space<vmem>>, vector<1x16xf32>,
      %parallel_loop3A_270 = arith.index_cast %parallel_loop3A_212 : i32 to index
      %parallel_loop3A_271 = arith.constant 48 : index
      %parallel_loop3A_272 = tpu.vector_load %arg6[%parallel_loop3A_270, %parallel_loop3A_271] {strides = array<i32>} : memref<512x128xf32, #tpu.memory_space<vmem>>, vector<1x16xf32>,
      %parallel_loop3A_273 = vector.shape_cast %parallel_loop3A_272 : vector<1x16xf32> to vector<16xf32>
      %parallel_loop3A_274 = arith.constant -4.000000e+02 : f32
      %parallel_loop3A_275 = vector.broadcast %parallel_loop3A_274 : f32 to vector<16xf32>
      %parallel_loop3A_276 = arith.mulf %parallel_loop3A_273, %parallel_loop3A_275 : vector<16xf32>
      %parallel_loop3A_277 = math.exp %parallel_loop3A_276 : vector<16xf32>
      %parallel_loop3A_278 = arith.constant 1.000000e+00 : f32
      %parallel_loop3A_279 = vector.broadcast %parallel_loop3A_278 : f32 to vector<16xf32>
      %parallel_loop3A_280 = arith.addf %parallel_loop3A_279, %parallel_loop3A_277 : vector<16xf32>
      %parallel_loop3A_281 = arith.constant 1.000000e+00 : f32
      %parallel_loop3A_282 = vector.broadcast %parallel_loop3A_281 : f32 to vector<16xf32>
      %parallel_loop3A_283 = arith.divf %parallel_loop3A_282, %parallel_loop3A_280 : vector<16xf32>
      %parallel_loop3A_284 = arith.index_cast %parallel_loop3A_212 : i32 to index
      %parallel_loop3A_285 = arith.constant 48 : index
      %parallel_loop3A_286 = tpu.vector_load %arg6[%parallel_loop3A_284, %parallel_loop3A_285] {strides = array<i32>} : memref<512x128xf32, #tpu.memory_space<vmem>>, vector<1x16xf32>,
      %parallel_loop3A_287 = vector.shape_cast %parallel_loop3A_286 : vector<1x16xf32> to vector<16xf32>
      %parallel_loop3A_288 = vector.shape_cast %parallel_loop3A_283 : vector<16xf32> to vector<1x16xf32>
      tpu.vector_store %arg6[%parallel_loop3A_284, %parallel_loop3A_285], %parallel_loop3A_288 {strides = array<i32>} : memref<512x128xf32, #tpu.memory_space<vmem>>, vector<1x16xf32>,
      %parallel_loop3A_289 = arith.index_cast %parallel_loop3A_212 : i32 to index
      %parallel_loop3A_290 = arith.constant 64 : index
      %parallel_loop3A_291 = tpu.vector_load %arg6[%parallel_loop3A_289, %parallel_loop3A_290] {strides = array<i32>} : memref<512x128xf32, #tpu.memory_space<vmem>>, vector<1x16xf32>,
      %parallel_loop3A_292 = vector.shape_cast %parallel_loop3A_291 : vector<1x16xf32> to vector<16xf32>
      %parallel_loop3A_293 = arith.constant -4.000000e+02 : f32
      %parallel_loop3A_294 = vector.broadcast %parallel_loop3A_293 : f32 to vector<16xf32>
      %parallel_loop3A_295 = arith.mulf %parallel_loop3A_292, %parallel_loop3A_294 : vector<16xf32>
      %parallel_loop3A_296 = math.exp %parallel_loop3A_295 : vector<16xf32>
      %parallel_loop3A_297 = arith.constant 1.000000e+00 : f32
      %parallel_loop3A_298 = vector.broadcast %parallel_loop3A_297 : f32 to vector<16xf32>
      %parallel_loop3A_299 = arith.addf %parallel_loop3A_298, %parallel_loop3A_296 : vector<16xf32>
      %parallel_loop3A_300 = arith.constant 1.000000e+00 : f32
      %parallel_loop3A_301 = vector.broadcast %parallel_loop3A_300 : f32 to vector<16xf32>
      %parallel_loop3A_302 = arith.divf %parallel_loop3A_301, %parallel_loop3A_299 : vector<16xf32>
      %parallel_loop3A_303 = arith.index_cast %parallel_loop3A_212 : i32 to index
      %parallel_loop3A_304 = arith.constant 64 : index
      %parallel_loop3A_305 = tpu.vector_load %arg6[%parallel_loop3A_303, %parallel_loop3A_304] {strides = array<i32>} : memref<512x128xf32, #tpu.memory_space<vmem>>, vector<1x16xf32>,
      %parallel_loop3A_306 = vector.shape_cast %parallel_loop3A_305 : vector<1x16xf32> to vector<16xf32>
      %parallel_loop3A_307 = vector.shape_cast %parallel_loop3A_302 : vector<16xf32> to vector<1x16xf32>
      tpu.vector_store %arg6[%parallel_loop3A_303, %parallel_loop3A_304], %parallel_loop3A_307 {strides = array<i32>} : memref<512x128xf32, #tpu.memory_space<vmem>>, vector<1x16xf32>,
      %parallel_loop3A_308 = arith.index_cast %parallel_loop3A_212 : i32 to index
      %parallel_loop3A_309 = arith.constant 80 : index
      %parallel_loop3A_310 = tpu.vector_load %arg6[%parallel_loop3A_308, %parallel_loop3A_309] {strides = array<i32>} : memref<512x128xf32, #tpu.memory_space<vmem>>, vector<1x16xf32>,
      %parallel_loop3A_311 = vector.shape_cast %parallel_loop3A_310 : vector<1x16xf32> to vector<16xf32>
      %parallel_loop3A_312 = arith.constant -4.000000e+02 : f32
      %parallel_loop3A_313 = vector.broadcast %parallel_loop3A_312 : f32 to vector<16xf32>
      %parallel_loop3A_314 = arith.mulf %parallel_loop3A_311, %parallel_loop3A_313 : vector<16xf32>
      %parallel_loop3A_315 = math.exp %parallel_loop3A_314 : vector<16xf32>
      %parallel_loop3A_316 = arith.constant 1.000000e+00 : f32
      %parallel_loop3A_317 = vector.broadcast %parallel_loop3A_316 : f32 to vector<16xf32>
      %parallel_loop3A_318 = arith.addf %parallel_loop3A_317, %parallel_loop3A_315 : vector<16xf32>
      %parallel_loop3A_319 = arith.constant 1.000000e+00 : f32
      %parallel_loop3A_320 = vector.broadcast %parallel_loop3A_319 : f32 to vector<16xf32>
      %parallel_loop3A_321 = arith.divf %parallel_loop3A_320, %parallel_loop3A_318 : vector<16xf32>
      %parallel_loop3A_322 = arith.index_cast %parallel_loop3A_212 : i32 to index
      %parallel_loop3A_323 = arith.constant 80 : index
      %parallel_loop3A_324 = tpu.vector_load %arg6[%parallel_loop3A_322, %parallel_loop3A_323] {strides = array<i32>} : memref<512x128xf32, #tpu.memory_space<vmem>>, vector<1x16xf32>,
      %parallel_loop3A_325 = vector.shape_cast %parallel_loop3A_324 : vector<1x16xf32> to vector<16xf32>
      %parallel_loop3A_326 = vector.shape_cast %parallel_loop3A_321 : vector<16xf32> to vector<1x16xf32>
      tpu.vector_store %arg6[%parallel_loop3A_322, %parallel_loop3A_323], %parallel_loop3A_326 {strides = array<i32>} : memref<512x128xf32, #tpu.memory_space<vmem>>, vector<1x16xf32>,
      %parallel_loop3A_327 = arith.index_cast %parallel_loop3A_212 : i32 to index
      %parallel_loop3A_328 = arith.constant 96 : index
      %parallel_loop3A_329 = tpu.vector_load %arg6[%parallel_loop3A_327, %parallel_loop3A_328] {strides = array<i32>} : memref<512x128xf32, #tpu.memory_space<vmem>>, vector<1x16xf32>,
      %parallel_loop3A_330 = vector.shape_cast %parallel_loop3A_329 : vector<1x16xf32> to vector<16xf32>
      %parallel_loop3A_331 = arith.constant -4.000000e+02 : f32
      %parallel_loop3A_332 = vector.broadcast %parallel_loop3A_331 : f32 to vector<16xf32>
      %parallel_loop3A_333 = arith.mulf %parallel_loop3A_330, %parallel_loop3A_332 : vector<16xf32>
      %parallel_loop3A_334 = math.exp %parallel_loop3A_333 : vector<16xf32>
      %parallel_loop3A_335 = arith.constant 1.000000e+00 : f32
      %parallel_loop3A_336 = vector.broadcast %parallel_loop3A_335 : f32 to vector<16xf32>
      %parallel_loop3A_337 = arith.addf %parallel_loop3A_336, %parallel_loop3A_334 : vector<16xf32>
      %parallel_loop3A_338 = arith.constant 1.000000e+00 : f32
      %parallel_loop3A_339 = vector.broadcast %parallel_loop3A_338 : f32 to vector<16xf32>
      %parallel_loop3A_340 = arith.divf %parallel_loop3A_339, %parallel_loop3A_337 : vector<16xf32>
      %parallel_loop3A_341 = arith.index_cast %parallel_loop3A_212 : i32 to index
      %parallel_loop3A_342 = arith.constant 96 : index
      %parallel_loop3A_343 = tpu.vector_load %arg6[%parallel_loop3A_341, %parallel_loop3A_342] {strides = array<i32>} : memref<512x128xf32, #tpu.memory_space<vmem>>, vector<1x16xf32>,
      %parallel_loop3A_344 = vector.shape_cast %parallel_loop3A_343 : vector<1x16xf32> to vector<16xf32>
      %parallel_loop3A_345 = vector.shape_cast %parallel_loop3A_340 : vector<16xf32> to vector<1x16xf32>
      tpu.vector_store %arg6[%parallel_loop3A_341, %parallel_loop3A_342], %parallel_loop3A_345 {strides = array<i32>} : memref<512x128xf32, #tpu.memory_space<vmem>>, vector<1x16xf32>,
      %parallel_loop3A_346 = arith.index_cast %parallel_loop3A_212 : i32 to index
      %parallel_loop3A_347 = arith.constant 112 : index
      %parallel_loop3A_348 = tpu.vector_load %arg6[%parallel_loop3A_346, %parallel_loop3A_347] {strides = array<i32>} : memref<512x128xf32, #tpu.memory_space<vmem>>, vector<1x16xf32>,
      %parallel_loop3A_349 = vector.shape_cast %parallel_loop3A_348 : vector<1x16xf32> to vector<16xf32>
      %parallel_loop3A_350 = arith.constant -4.000000e+02 : f32
      %parallel_loop3A_351 = vector.broadcast %parallel_loop3A_350 : f32 to vector<16xf32>
      %parallel_loop3A_352 = arith.mulf %parallel_loop3A_349, %parallel_loop3A_351 : vector<16xf32>
      %parallel_loop3A_353 = math.exp %parallel_loop3A_352 : vector<16xf32>
      %parallel_loop3A_354 = arith.constant 1.000000e+00 : f32
      %parallel_loop3A_355 = vector.broadcast %parallel_loop3A_354 : f32 to vector<16xf32>
      %parallel_loop3A_356 = arith.addf %parallel_loop3A_355, %parallel_loop3A_353 : vector<16xf32>
      %parallel_loop3A_357 = arith.constant 1.000000e+00 : f32
      %parallel_loop3A_358 = vector.broadcast %parallel_loop3A_357 : f32 to vector<16xf32>
      %parallel_loop3A_359 = arith.divf %parallel_loop3A_358, %parallel_loop3A_356 : vector<16xf32>
      %parallel_loop3A_360 = arith.index_cast %parallel_loop3A_212 : i32 to index
      %parallel_loop3A_361 = arith.constant 112 : index
      %parallel_loop3A_362 = tpu.vector_load %arg6[%parallel_loop3A_360, %parallel_loop3A_361] {strides = array<i32>} : memref<512x128xf32, #tpu.memory_space<vmem>>, vector<1x16xf32>,
      %parallel_loop3A_363 = vector.shape_cast %parallel_loop3A_362 : vector<1x16xf32> to vector<16xf32>
      %parallel_loop3A_364 = vector.shape_cast %parallel_loop3A_359 : vector<16xf32> to vector<1x16xf32>
      tpu.vector_store %arg6[%parallel_loop3A_360, %parallel_loop3A_361], %parallel_loop3A_364 {strides = array<i32>} : memref<512x128xf32, #tpu.memory_space<vmem>>, vector<1x16xf32>,
    } {sc.loop_unroll_factor = 2 : i64, sc.parallel_access}
    %add3A_58 = arith.constant 0 : i32
    %add3A_59 = arith.addi %mul3A_2, %add3A_58 : i32
    %dma_start3A_60 = arith.constant 0 : i32
    %dma_start3A_61 = arith.constant 0 : i32
    %dma_start3A_62 = arith.constant 0 : i32
    %dma_start3A_63 = tpu.memref_slice %arg6[%dma_start3A_61, %dma_start3A_62] : memref<512x128xf32, #tpu.memory_space<vmem>> -> memref<128x128xf32, #tpu.memory_space<vmem>>
    %dma_start3A_64 = arith.constant 0 : i32
    %dma_start3A_65 = tpu.memref_slice %arg4[%add3A_59, %dma_start3A_64] : memref<16384x128xf32, #tpu.memory_space<hbm>> -> memref<128x128xf32, #tpu.memory_space<hbm>>
    %dma_start3A_66 = tpu.memref_slice %arg8[%dma_start3A_60] : memref<4x!tpu.dma_semaphore, #tpu.memory_space<semaphore_mem>> -> memref<1x!tpu.dma_semaphore, #tpu.memory_space<semaphore_mem>>
    %dma_start3A_67 = tpu.memref_squeeze %dma_start3A_66 : memref<1x!tpu.dma_semaphore, #tpu.memory_space<semaphore_mem>> -> memref<!tpu.dma_semaphore, #tpu.memory_space<semaphore_mem>>
    %dma_start3A_68 = arith.constant 0 : i32
    %dma_start3A_69 = tpu.memref_slice %arg4[%add3A_59, %dma_start3A_68] : memref<16384x128xf32, #tpu.memory_space<hbm>> -> memref<128x128xf32, #tpu.memory_space<hbm>>
    %dma_start3A_70 = arith.constant 0 : i32
    %dma_start3A_71 = arith.constant 0 : i32
    %dma_start3A_72 = tpu.memref_slice %arg6[%dma_start3A_70, %dma_start3A_71] : memref<512x128xf32, #tpu.memory_space<vmem>> -> memref<128x128xf32, #tpu.memory_space<vmem>>
    tpu.enqueue_dma source(%dma_start3A_72 : memref<128x128xf32, #tpu.memory_space<vmem>>) target(%dma_start3A_69 : memref<128x128xf32, #tpu.memory_space<hbm>>) target_semaphore(%dma_start3A_67 : memref<!tpu.dma_semaphore, #tpu.memory_space<semaphore_mem>>)
    %dma_wait3A_73 = arith.constant 1 : i32
    %dma_wait3A_74 = arith.constant 128 : i32
    %dma_wait3A_75 = arith.constant 0 : i32
    %dma_wait3A_76 = tpu.memref_slice %arg6[%dma_wait3A_74, %dma_wait3A_75] : memref<512x128xf32, #tpu.memory_space<vmem>> -> memref<128x128xf32, #tpu.memory_space<vmem>>
    %dma_wait3A_77 = arith.constant 128 : i32
    %dma_wait3A_78 = tpu.memref_slice %arg5[%dma_wait3A_77] : memref<512xi32, #tpu.memory_space<vmem>> -> memref<128xi32, #tpu.memory_space<vmem>>
    %dma_wait3A_79 = arith.constant 0 : i32
    %dma_wait3A_80 = arith.constant 0 : i32
    %dma_wait3A_81 = tpu.memref_slice %arg3[%dma_wait3A_79, %dma_wait3A_80] : memref<100000x128xf32, #tpu.memory_space<hbm>> -> memref<100000x128xf32, #tpu.memory_space<hbm>>
    %dma_wait3A_82 = tpu.memref_slice %arg7[%dma_wait3A_73] : memref<4x!tpu.dma_semaphore, #tpu.memory_space<semaphore_mem>> -> memref<1x!tpu.dma_semaphore, #tpu.memory_space<semaphore_mem>>
    %dma_wait3A_83 = tpu.memref_squeeze %dma_wait3A_82 : memref<1x!tpu.dma_semaphore, #tpu.memory_space<semaphore_mem>> -> memref<!tpu.dma_semaphore, #tpu.memory_space<semaphore_mem>>
    tpu.wait_indirect_dma semaphore(%dma_wait3A_83 : memref<!tpu.dma_semaphore, #tpu.memory_space<semaphore_mem>>) src(%dma_wait3A_81 : memref<100000x128xf32, #tpu.memory_space<hbm>>) dst(%dma_wait3A_76 : memref<128x128xf32, #tpu.memory_space<vmem>>)
    %parallel_loop3A_84 = arith.constant 128 : i32
    %parallel_loop3A_85 = arith.constant 256 : i32
    %parallel_loop3A_86 = arith.constant 1 : i32
    scf.for %parallel_loop3A_212 = %parallel_loop3A_84 to %parallel_loop3A_85 step %parallel_loop3A_86  : i32 {
      %parallel_loop3A_213 = arith.index_cast %parallel_loop3A_212 : i32 to index
      %parallel_loop3A_214 = arith.constant 0 : index
      %parallel_loop3A_215 = tpu.vector_load %arg6[%parallel_loop3A_213, %parallel_loop3A_214] {strides = array<i32>} : memref<512x128xf32, #tpu.memory_space<vmem>>, vector<1x16xf32>,
      %parallel_loop3A_216 = vector.shape_cast %parallel_loop3A_215 : vector<1x16xf32> to vector<16xf32>
      %parallel_loop3A_217 = arith.constant -4.000000e+02 : f32
      %parallel_loop3A_218 = vector.broadcast %parallel_loop3A_217 : f32 to vector<16xf32>
      %parallel_loop3A_219 = arith.mulf %parallel_loop3A_216, %parallel_loop3A_218 : vector<16xf32>
      %parallel_loop3A_220 = math.exp %parallel_loop3A_219 : vector<16xf32>
      %parallel_loop3A_221 = arith.constant 1.000000e+00 : f32
      %parallel_loop3A_222 = vector.broadcast %parallel_loop3A_221 : f32 to vector<16xf32>
      %parallel_loop3A_223 = arith.addf %parallel_loop3A_222, %parallel_loop3A_220 : vector<16xf32>
      %parallel_loop3A_224 = arith.constant 1.000000e+00 : f32
      %parallel_loop3A_225 = vector.broadcast %parallel_loop3A_224 : f32 to vector<16xf32>
      %parallel_loop3A_226 = arith.divf %parallel_loop3A_225, %parallel_loop3A_223 : vector<16xf32>
      %parallel_loop3A_227 = arith.index_cast %parallel_loop3A_212 : i32 to index
      %parallel_loop3A_228 = arith.constant 0 : index
      %parallel_loop3A_229 = tpu.vector_load %arg6[%parallel_loop3A_227, %parallel_loop3A_228] {strides = array<i32>} : memref<512x128xf32, #tpu.memory_space<vmem>>, vector<1x16xf32>,
      %parallel_loop3A_230 = vector.shape_cast %parallel_loop3A_229 : vector<1x16xf32> to vector<16xf32>
      %parallel_loop3A_231 = vector.shape_cast %parallel_loop3A_226 : vector<16xf32> to vector<1x16xf32>
      tpu.vector_store %arg6[%parallel_loop3A_227, %parallel_loop3A_228], %parallel_loop3A_231 {strides = array<i32>} : memref<512x128xf32, #tpu.memory_space<vmem>>, vector<1x16xf32>,
      %parallel_loop3A_232 = arith.index_cast %parallel_loop3A_212 : i32 to index
      %parallel_loop3A_233 = arith.constant 16 : index
      %parallel_loop3A_234 = tpu.vector_load %arg6[%parallel_loop3A_232, %parallel_loop3A_233] {strides = array<i32>} : memref<512x128xf32, #tpu.memory_space<vmem>>, vector<1x16xf32>,
      %parallel_loop3A_235 = vector.shape_cast %parallel_loop3A_234 : vector<1x16xf32> to vector<16xf32>
      %parallel_loop3A_236 = arith.constant -4.000000e+02 : f32
      %parallel_loop3A_237 = vector.broadcast %parallel_loop3A_236 : f32 to vector<16xf32>
      %parallel_loop3A_238 = arith.mulf %parallel_loop3A_235, %parallel_loop3A_237 : vector<16xf32>
      %parallel_loop3A_239 = math.exp %parallel_loop3A_238 : vector<16xf32>
      %parallel_loop3A_240 = arith.constant 1.000000e+00 : f32
      %parallel_loop3A_241 = vector.broadcast %parallel_loop3A_240 : f32 to vector<16xf32>
      %parallel_loop3A_242 = arith.addf %parallel_loop3A_241, %parallel_loop3A_239 : vector<16xf32>
      %parallel_loop3A_243 = arith.constant 1.000000e+00 : f32
      %parallel_loop3A_244 = vector.broadcast %parallel_loop3A_243 : f32 to vector<16xf32>
      %parallel_loop3A_245 = arith.divf %parallel_loop3A_244, %parallel_loop3A_242 : vector<16xf32>
      %parallel_loop3A_246 = arith.index_cast %parallel_loop3A_212 : i32 to index
      %parallel_loop3A_247 = arith.constant 16 : index
      %parallel_loop3A_248 = tpu.vector_load %arg6[%parallel_loop3A_246, %parallel_loop3A_247] {strides = array<i32>} : memref<512x128xf32, #tpu.memory_space<vmem>>, vector<1x16xf32>,
      %parallel_loop3A_249 = vector.shape_cast %parallel_loop3A_248 : vector<1x16xf32> to vector<16xf32>
      %parallel_loop3A_250 = vector.shape_cast %parallel_loop3A_245 : vector<16xf32> to vector<1x16xf32>
      tpu.vector_store %arg6[%parallel_loop3A_246, %parallel_loop3A_247], %parallel_loop3A_250 {strides = array<i32>} : memref<512x128xf32, #tpu.memory_space<vmem>>, vector<1x16xf32>,
      %parallel_loop3A_251 = arith.index_cast %parallel_loop3A_212 : i32 to index
      %parallel_loop3A_252 = arith.constant 32 : index
      %parallel_loop3A_253 = tpu.vector_load %arg6[%parallel_loop3A_251, %parallel_loop3A_252] {strides = array<i32>} : memref<512x128xf32, #tpu.memory_space<vmem>>, vector<1x16xf32>,
      %parallel_loop3A_254 = vector.shape_cast %parallel_loop3A_253 : vector<1x16xf32> to vector<16xf32>
      %parallel_loop3A_255 = arith.constant -4.000000e+02 : f32
      %parallel_loop3A_256 = vector.broadcast %parallel_loop3A_255 : f32 to vector<16xf32>
      %parallel_loop3A_257 = arith.mulf %parallel_loop3A_254, %parallel_loop3A_256 : vector<16xf32>
      %parallel_loop3A_258 = math.exp %parallel_loop3A_257 : vector<16xf32>
      %parallel_loop3A_259 = arith.constant 1.000000e+00 : f32
      %parallel_loop3A_260 = vector.broadcast %parallel_loop3A_259 : f32 to vector<16xf32>
      %parallel_loop3A_261 = arith.addf %parallel_loop3A_260, %parallel_loop3A_258 : vector<16xf32>
      %parallel_loop3A_262 = arith.constant 1.000000e+00 : f32
      %parallel_loop3A_263 = vector.broadcast %parallel_loop3A_262 : f32 to vector<16xf32>
      %parallel_loop3A_264 = arith.divf %parallel_loop3A_263, %parallel_loop3A_261 : vector<16xf32>
      %parallel_loop3A_265 = arith.index_cast %parallel_loop3A_212 : i32 to index
      %parallel_loop3A_266 = arith.constant 32 : index
      %parallel_loop3A_267 = tpu.vector_load %arg6[%parallel_loop3A_265, %parallel_loop3A_266] {strides = array<i32>} : memref<512x128xf32, #tpu.memory_space<vmem>>, vector<1x16xf32>,
      %parallel_loop3A_268 = vector.shape_cast %parallel_loop3A_267 : vector<1x16xf32> to vector<16xf32>
      %parallel_loop3A_269 = vector.shape_cast %parallel_loop3A_264 : vector<16xf32> to vector<1x16xf32>
      tpu.vector_store %arg6[%parallel_loop3A_265, %parallel_loop3A_266], %parallel_loop3A_269 {strides = array<i32>} : memref<512x128xf32, #tpu.memory_space<vmem>>, vector<1x16xf32>,
      %parallel_loop3A_270 = arith.index_cast %parallel_loop3A_212 : i32 to index
      %parallel_loop3A_271 = arith.constant 48 : index
      %parallel_loop3A_272 = tpu.vector_load %arg6[%parallel_loop3A_270, %parallel_loop3A_271] {strides = array<i32>} : memref<512x128xf32, #tpu.memory_space<vmem>>, vector<1x16xf32>,
      %parallel_loop3A_273 = vector.shape_cast %parallel_loop3A_272 : vector<1x16xf32> to vector<16xf32>
      %parallel_loop3A_274 = arith.constant -4.000000e+02 : f32
      %parallel_loop3A_275 = vector.broadcast %parallel_loop3A_274 : f32 to vector<16xf32>
      %parallel_loop3A_276 = arith.mulf %parallel_loop3A_273, %parallel_loop3A_275 : vector<16xf32>
      %parallel_loop3A_277 = math.exp %parallel_loop3A_276 : vector<16xf32>
      %parallel_loop3A_278 = arith.constant 1.000000e+00 : f32
      %parallel_loop3A_279 = vector.broadcast %parallel_loop3A_278 : f32 to vector<16xf32>
      %parallel_loop3A_280 = arith.addf %parallel_loop3A_279, %parallel_loop3A_277 : vector<16xf32>
      %parallel_loop3A_281 = arith.constant 1.000000e+00 : f32
      %parallel_loop3A_282 = vector.broadcast %parallel_loop3A_281 : f32 to vector<16xf32>
      %parallel_loop3A_283 = arith.divf %parallel_loop3A_282, %parallel_loop3A_280 : vector<16xf32>
      %parallel_loop3A_284 = arith.index_cast %parallel_loop3A_212 : i32 to index
      %parallel_loop3A_285 = arith.constant 48 : index
      %parallel_loop3A_286 = tpu.vector_load %arg6[%parallel_loop3A_284, %parallel_loop3A_285] {strides = array<i32>} : memref<512x128xf32, #tpu.memory_space<vmem>>, vector<1x16xf32>,
      %parallel_loop3A_287 = vector.shape_cast %parallel_loop3A_286 : vector<1x16xf32> to vector<16xf32>
      %parallel_loop3A_288 = vector.shape_cast %parallel_loop3A_283 : vector<16xf32> to vector<1x16xf32>
      tpu.vector_store %arg6[%parallel_loop3A_284, %parallel_loop3A_285], %parallel_loop3A_288 {strides = array<i32>} : memref<512x128xf32, #tpu.memory_space<vmem>>, vector<1x16xf32>,
      %parallel_loop3A_289 = arith.index_cast %parallel_loop3A_212 : i32 to index
      %parallel_loop3A_290 = arith.constant 64 : index
      %parallel_loop3A_291 = tpu.vector_load %arg6[%parallel_loop3A_289, %parallel_loop3A_290] {strides = array<i32>} : memref<512x128xf32, #tpu.memory_space<vmem>>, vector<1x16xf32>,
      %parallel_loop3A_292 = vector.shape_cast %parallel_loop3A_291 : vector<1x16xf32> to vector<16xf32>
      %parallel_loop3A_293 = arith.constant -4.000000e+02 : f32
      %parallel_loop3A_294 = vector.broadcast %parallel_loop3A_293 : f32 to vector<16xf32>
      %parallel_loop3A_295 = arith.mulf %parallel_loop3A_292, %parallel_loop3A_294 : vector<16xf32>
      %parallel_loop3A_296 = math.exp %parallel_loop3A_295 : vector<16xf32>
      %parallel_loop3A_297 = arith.constant 1.000000e+00 : f32
      %parallel_loop3A_298 = vector.broadcast %parallel_loop3A_297 : f32 to vector<16xf32>
      %parallel_loop3A_299 = arith.addf %parallel_loop3A_298, %parallel_loop3A_296 : vector<16xf32>
      %parallel_loop3A_300 = arith.constant 1.000000e+00 : f32
      %parallel_loop3A_301 = vector.broadcast %parallel_loop3A_300 : f32 to vector<16xf32>
      %parallel_loop3A_302 = arith.divf %parallel_loop3A_301, %parallel_loop3A_299 : vector<16xf32>
      %parallel_loop3A_303 = arith.index_cast %parallel_loop3A_212 : i32 to index
      %parallel_loop3A_304 = arith.constant 64 : index
      %parallel_loop3A_305 = tpu.vector_load %arg6[%parallel_loop3A_303, %parallel_loop3A_304] {strides = array<i32>} : memref<512x128xf32, #tpu.memory_space<vmem>>, vector<1x16xf32>,
      %parallel_loop3A_306 = vector.shape_cast %parallel_loop3A_305 : vector<1x16xf32> to vector<16xf32>
      %parallel_loop3A_307 = vector.shape_cast %parallel_loop3A_302 : vector<16xf32> to vector<1x16xf32>
      tpu.vector_store %arg6[%parallel_loop3A_303, %parallel_loop3A_304], %parallel_loop3A_307 {strides = array<i32>} : memref<512x128xf32, #tpu.memory_space<vmem>>, vector<1x16xf32>,
      %parallel_loop3A_308 = arith.index_cast %parallel_loop3A_212 : i32 to index
      %parallel_loop3A_309 = arith.constant 80 : index
      %parallel_loop3A_310 = tpu.vector_load %arg6[%parallel_loop3A_308, %parallel_loop3A_309] {strides = array<i32>} : memref<512x128xf32, #tpu.memory_space<vmem>>, vector<1x16xf32>,
      %parallel_loop3A_311 = vector.shape_cast %parallel_loop3A_310 : vector<1x16xf32> to vector<16xf32>
      %parallel_loop3A_312 = arith.constant -4.000000e+02 : f32
      %parallel_loop3A_313 = vector.broadcast %parallel_loop3A_312 : f32 to vector<16xf32>
      %parallel_loop3A_314 = arith.mulf %parallel_loop3A_311, %parallel_loop3A_313 : vector<16xf32>
      %parallel_loop3A_315 = math.exp %parallel_loop3A_314 : vector<16xf32>
      %parallel_loop3A_316 = arith.constant 1.000000e+00 : f32
      %parallel_loop3A_317 = vector.broadcast %parallel_loop3A_316 : f32 to vector<16xf32>
      %parallel_loop3A_318 = arith.addf %parallel_loop3A_317, %parallel_loop3A_315 : vector<16xf32>
      %parallel_loop3A_319 = arith.constant 1.000000e+00 : f32
      %parallel_loop3A_320 = vector.broadcast %parallel_loop3A_319 : f32 to vector<16xf32>
      %parallel_loop3A_321 = arith.divf %parallel_loop3A_320, %parallel_loop3A_318 : vector<16xf32>
      %parallel_loop3A_322 = arith.index_cast %parallel_loop3A_212 : i32 to index
      %parallel_loop3A_323 = arith.constant 80 : index
      %parallel_loop3A_324 = tpu.vector_load %arg6[%parallel_loop3A_322, %parallel_loop3A_323] {strides = array<i32>} : memref<512x128xf32, #tpu.memory_space<vmem>>, vector<1x16xf32>,
      %parallel_loop3A_325 = vector.shape_cast %parallel_loop3A_324 : vector<1x16xf32> to vector<16xf32>
      %parallel_loop3A_326 = vector.shape_cast %parallel_loop3A_321 : vector<16xf32> to vector<1x16xf32>
      tpu.vector_store %arg6[%parallel_loop3A_322, %parallel_loop3A_323], %parallel_loop3A_326 {strides = array<i32>} : memref<512x128xf32, #tpu.memory_space<vmem>>, vector<1x16xf32>,
      %parallel_loop3A_327 = arith.index_cast %parallel_loop3A_212 : i32 to index
      %parallel_loop3A_328 = arith.constant 96 : index
      %parallel_loop3A_329 = tpu.vector_load %arg6[%parallel_loop3A_327, %parallel_loop3A_328] {strides = array<i32>} : memref<512x128xf32, #tpu.memory_space<vmem>>, vector<1x16xf32>,
      %parallel_loop3A_330 = vector.shape_cast %parallel_loop3A_329 : vector<1x16xf32> to vector<16xf32>
      %parallel_loop3A_331 = arith.constant -4.000000e+02 : f32
      %parallel_loop3A_332 = vector.broadcast %parallel_loop3A_331 : f32 to vector<16xf32>
      %parallel_loop3A_333 = arith.mulf %parallel_loop3A_330, %parallel_loop3A_332 : vector<16xf32>
      %parallel_loop3A_334 = math.exp %parallel_loop3A_333 : vector<16xf32>
      %parallel_loop3A_335 = arith.constant 1.000000e+00 : f32
      %parallel_loop3A_336 = vector.broadcast %parallel_loop3A_335 : f32 to vector<16xf32>
      %parallel_loop3A_337 = arith.addf %parallel_loop3A_336, %parallel_loop3A_334 : vector<16xf32>
      %parallel_loop3A_338 = arith.constant 1.000000e+00 : f32
      %parallel_loop3A_339 = vector.broadcast %parallel_loop3A_338 : f32 to vector<16xf32>
      %parallel_loop3A_340 = arith.divf %parallel_loop3A_339, %parallel_loop3A_337 : vector<16xf32>
      %parallel_loop3A_341 = arith.index_cast %parallel_loop3A_212 : i32 to index
      %parallel_loop3A_342 = arith.constant 96 : index
      %parallel_loop3A_343 = tpu.vector_load %arg6[%parallel_loop3A_341, %parallel_loop3A_342] {strides = array<i32>} : memref<512x128xf32, #tpu.memory_space<vmem>>, vector<1x16xf32>,
      %parallel_loop3A_344 = vector.shape_cast %parallel_loop3A_343 : vector<1x16xf32> to vector<16xf32>
      %parallel_loop3A_345 = vector.shape_cast %parallel_loop3A_340 : vector<16xf32> to vector<1x16xf32>
      tpu.vector_store %arg6[%parallel_loop3A_341, %parallel_loop3A_342], %parallel_loop3A_345 {strides = array<i32>} : memref<512x128xf32, #tpu.memory_space<vmem>>, vector<1x16xf32>,
      %parallel_loop3A_346 = arith.index_cast %parallel_loop3A_212 : i32 to index
      %parallel_loop3A_347 = arith.constant 112 : index
      %parallel_loop3A_348 = tpu.vector_load %arg6[%parallel_loop3A_346, %parallel_loop3A_347] {strides = array<i32>} : memref<512x128xf32, #tpu.memory_space<vmem>>, vector<1x16xf32>,
      %parallel_loop3A_349 = vector.shape_cast %parallel_loop3A_348 : vector<1x16xf32> to vector<16xf32>
      %parallel_loop3A_350 = arith.constant -4.000000e+02 : f32
      %parallel_loop3A_351 = vector.broadcast %parallel_loop3A_350 : f32 to vector<16xf32>
      %parallel_loop3A_352 = arith.mulf %parallel_loop3A_349, %parallel_loop3A_351 : vector<16xf32>
      %parallel_loop3A_353 = math.exp %parallel_loop3A_352 : vector<16xf32>
      %parallel_loop3A_354 = arith.constant 1.000000e+00 : f32
      %parallel_loop3A_355 = vector.broadcast %parallel_loop3A_354 : f32 to vector<16xf32>
      %parallel_loop3A_356 = arith.addf %parallel_loop3A_355, %parallel_loop3A_353 : vector<16xf32>
      %parallel_loop3A_357 = arith.constant 1.000000e+00 : f32
      %parallel_loop3A_358 = vector.broadcast %parallel_loop3A_357 : f32 to vector<16xf32>
      %parallel_loop3A_359 = arith.divf %parallel_loop3A_358, %parallel_loop3A_356 : vector<16xf32>
      %parallel_loop3A_360 = arith.index_cast %parallel_loop3A_212 : i32 to index
      %parallel_loop3A_361 = arith.constant 112 : index
      %parallel_loop3A_362 = tpu.vector_load %arg6[%parallel_loop3A_360, %parallel_loop3A_361] {strides = array<i32>} : memref<512x128xf32, #tpu.memory_space<vmem>>, vector<1x16xf32>,
      %parallel_loop3A_363 = vector.shape_cast %parallel_loop3A_362 : vector<1x16xf32> to vector<16xf32>
      %parallel_loop3A_364 = vector.shape_cast %parallel_loop3A_359 : vector<16xf32> to vector<1x16xf32>
      tpu.vector_store %arg6[%parallel_loop3A_360, %parallel_loop3A_361], %parallel_loop3A_364 {strides = array<i32>} : memref<512x128xf32, #tpu.memory_space<vmem>>, vector<1x16xf32>,
    } {sc.loop_unroll_factor = 2 : i64, sc.parallel_access}
    %add3A_87 = arith.constant 128 : i32
    %add3A_88 = arith.addi %mul3A_2, %add3A_87 : i32
    %dma_start3A_89 = arith.constant 1 : i32
    %dma_start3A_90 = arith.constant 128 : i32
    %dma_start3A_91 = arith.constant 0 : i32
    %dma_start3A_92 = tpu.memref_slice %arg6[%dma_start3A_90, %dma_start3A_91] : memref<512x128xf32, #tpu.memory_space<vmem>> -> memref<128x128xf32, #tpu.memory_space<vmem>>
    %dma_start3A_93 = arith.constant 0 : i32
    %dma_start3A_94 = tpu.memref_slice %arg4[%add3A_88, %dma_start3A_93] : memref<16384x128xf32, #tpu.memory_space<hbm>> -> memref<128x128xf32, #tpu.memory_space<hbm>>
    %dma_start3A_95 = tpu.memref_slice %arg8[%dma_start3A_89] : memref<4x!tpu.dma_semaphore, #tpu.memory_space<semaphore_mem>> -> memref<1x!tpu.dma_semaphore, #tpu.memory_space<semaphore_mem>>
    %dma_start3A_96 = tpu.memref_squeeze %dma_start3A_95 : memref<1x!tpu.dma_semaphore, #tpu.memory_space<semaphore_mem>> -> memref<!tpu.dma_semaphore, #tpu.memory_space<semaphore_mem>>
    %dma_start3A_97 = arith.constant 0 : i32
    %dma_start3A_98 = tpu.memref_slice %arg4[%add3A_88, %dma_start3A_97] : memref<16384x128xf32, #tpu.memory_space<hbm>> -> memref<128x128xf32, #tpu.memory_space<hbm>>
    %dma_start3A_99 = arith.constant 128 : i32
    %dma_start3A_100 = arith.constant 0 : i32
    %dma_start3A_101 = tpu.memref_slice %arg6[%dma_start3A_99, %dma_start3A_100] : memref<512x128xf32, #tpu.memory_space<vmem>> -> memref<128x128xf32, #tpu.memory_space<vmem>>
    tpu.enqueue_dma source(%dma_start3A_101 : memref<128x128xf32, #tpu.memory_space<vmem>>) target(%dma_start3A_98 : memref<128x128xf32, #tpu.memory_space<hbm>>) target_semaphore(%dma_start3A_96 : memref<!tpu.dma_semaphore, #tpu.memory_space<semaphore_mem>>)
    %dma_wait3A_102 = arith.constant 2 : i32
    %dma_wait3A_103 = arith.constant 256 : i32
    %dma_wait3A_104 = arith.constant 0 : i32
    %dma_wait3A_105 = tpu.memref_slice %arg6[%dma_wait3A_103, %dma_wait3A_104] : memref<512x128xf32, #tpu.memory_space<vmem>> -> memref<128x128xf32, #tpu.memory_space<vmem>>
    %dma_wait3A_106 = arith.constant 256 : i32
    %dma_wait3A_107 = tpu.memref_slice %arg5[%dma_wait3A_106] : memref<512xi32, #tpu.memory_space<vmem>> -> memref<128xi32, #tpu.memory_space<vmem>>
    %dma_wait3A_108 = arith.constant 0 : i32
    %dma_wait3A_109 = arith.constant 0 : i32
    %dma_wait3A_110 = tpu.memref_slice %arg3[%dma_wait3A_108, %dma_wait3A_109] : memref<100000x128xf32, #tpu.memory_space<hbm>> -> memref<100000x128xf32, #tpu.memory_space<hbm>>
    %dma_wait3A_111 = tpu.memref_slice %arg7[%dma_wait3A_102] : memref<4x!tpu.dma_semaphore, #tpu.memory_space<semaphore_mem>> -> memref<1x!tpu.dma_semaphore, #tpu.memory_space<semaphore_mem>>
    %dma_wait3A_112 = tpu.memref_squeeze %dma_wait3A_111 : memref<1x!tpu.dma_semaphore, #tpu.memory_space<semaphore_mem>> -> memref<!tpu.dma_semaphore, #tpu.memory_space<semaphore_mem>>
    tpu.wait_indirect_dma semaphore(%dma_wait3A_112 : memref<!tpu.dma_semaphore, #tpu.memory_space<semaphore_mem>>) src(%dma_wait3A_110 : memref<100000x128xf32, #tpu.memory_space<hbm>>) dst(%dma_wait3A_105 : memref<128x128xf32, #tpu.memory_space<vmem>>)
    %parallel_loop3A_113 = arith.constant 256 : i32
    %parallel_loop3A_114 = arith.constant 384 : i32
    %parallel_loop3A_115 = arith.constant 1 : i32
    scf.for %parallel_loop3A_212 = %parallel_loop3A_113 to %parallel_loop3A_114 step %parallel_loop3A_115  : i32 {
      %parallel_loop3A_213 = arith.index_cast %parallel_loop3A_212 : i32 to index
      %parallel_loop3A_214 = arith.constant 0 : index
      %parallel_loop3A_215 = tpu.vector_load %arg6[%parallel_loop3A_213, %parallel_loop3A_214] {strides = array<i32>} : memref<512x128xf32, #tpu.memory_space<vmem>>, vector<1x16xf32>,
      %parallel_loop3A_216 = vector.shape_cast %parallel_loop3A_215 : vector<1x16xf32> to vector<16xf32>
      %parallel_loop3A_217 = arith.constant -4.000000e+02 : f32
      %parallel_loop3A_218 = vector.broadcast %parallel_loop3A_217 : f32 to vector<16xf32>
      %parallel_loop3A_219 = arith.mulf %parallel_loop3A_216, %parallel_loop3A_218 : vector<16xf32>
      %parallel_loop3A_220 = math.exp %parallel_loop3A_219 : vector<16xf32>
      %parallel_loop3A_221 = arith.constant 1.000000e+00 : f32
      %parallel_loop3A_222 = vector.broadcast %parallel_loop3A_221 : f32 to vector<16xf32>
      %parallel_loop3A_223 = arith.addf %parallel_loop3A_222, %parallel_loop3A_220 : vector<16xf32>
      %parallel_loop3A_224 = arith.constant 1.000000e+00 : f32
      %parallel_loop3A_225 = vector.broadcast %parallel_loop3A_224 : f32 to vector<16xf32>
      %parallel_loop3A_226 = arith.divf %parallel_loop3A_225, %parallel_loop3A_223 : vector<16xf32>
      %parallel_loop3A_227 = arith.index_cast %parallel_loop3A_212 : i32 to index
      %parallel_loop3A_228 = arith.constant 0 : index
      %parallel_loop3A_229 = tpu.vector_load %arg6[%parallel_loop3A_227, %parallel_loop3A_228] {strides = array<i32>} : memref<512x128xf32, #tpu.memory_space<vmem>>, vector<1x16xf32>,
      %parallel_loop3A_230 = vector.shape_cast %parallel_loop3A_229 : vector<1x16xf32> to vector<16xf32>
      %parallel_loop3A_231 = vector.shape_cast %parallel_loop3A_226 : vector<16xf32> to vector<1x16xf32>
      tpu.vector_store %arg6[%parallel_loop3A_227, %parallel_loop3A_228], %parallel_loop3A_231 {strides = array<i32>} : memref<512x128xf32, #tpu.memory_space<vmem>>, vector<1x16xf32>,
      %parallel_loop3A_232 = arith.index_cast %parallel_loop3A_212 : i32 to index
      %parallel_loop3A_233 = arith.constant 16 : index
      %parallel_loop3A_234 = tpu.vector_load %arg6[%parallel_loop3A_232, %parallel_loop3A_233] {strides = array<i32>} : memref<512x128xf32, #tpu.memory_space<vmem>>, vector<1x16xf32>,
      %parallel_loop3A_235 = vector.shape_cast %parallel_loop3A_234 : vector<1x16xf32> to vector<16xf32>
      %parallel_loop3A_236 = arith.constant -4.000000e+02 : f32
      %parallel_loop3A_237 = vector.broadcast %parallel_loop3A_236 : f32 to vector<16xf32>
      %parallel_loop3A_238 = arith.mulf %parallel_loop3A_235, %parallel_loop3A_237 : vector<16xf32>
      %parallel_loop3A_239 = math.exp %parallel_loop3A_238 : vector<16xf32>
      %parallel_loop3A_240 = arith.constant 1.000000e+00 : f32
      %parallel_loop3A_241 = vector.broadcast %parallel_loop3A_240 : f32 to vector<16xf32>
      %parallel_loop3A_242 = arith.addf %parallel_loop3A_241, %parallel_loop3A_239 : vector<16xf32>
      %parallel_loop3A_243 = arith.constant 1.000000e+00 : f32
      %parallel_loop3A_244 = vector.broadcast %parallel_loop3A_243 : f32 to vector<16xf32>
      %parallel_loop3A_245 = arith.divf %parallel_loop3A_244, %parallel_loop3A_242 : vector<16xf32>
      %parallel_loop3A_246 = arith.index_cast %parallel_loop3A_212 : i32 to index
      %parallel_loop3A_247 = arith.constant 16 : index
      %parallel_loop3A_248 = tpu.vector_load %arg6[%parallel_loop3A_246, %parallel_loop3A_247] {strides = array<i32>} : memref<512x128xf32, #tpu.memory_space<vmem>>, vector<1x16xf32>,
      %parallel_loop3A_249 = vector.shape_cast %parallel_loop3A_248 : vector<1x16xf32> to vector<16xf32>
      %parallel_loop3A_250 = vector.shape_cast %parallel_loop3A_245 : vector<16xf32> to vector<1x16xf32>
      tpu.vector_store %arg6[%parallel_loop3A_246, %parallel_loop3A_247], %parallel_loop3A_250 {strides = array<i32>} : memref<512x128xf32, #tpu.memory_space<vmem>>, vector<1x16xf32>,
      %parallel_loop3A_251 = arith.index_cast %parallel_loop3A_212 : i32 to index
      %parallel_loop3A_252 = arith.constant 32 : index
      %parallel_loop3A_253 = tpu.vector_load %arg6[%parallel_loop3A_251, %parallel_loop3A_252] {strides = array<i32>} : memref<512x128xf32, #tpu.memory_space<vmem>>, vector<1x16xf32>,
      %parallel_loop3A_254 = vector.shape_cast %parallel_loop3A_253 : vector<1x16xf32> to vector<16xf32>
      %parallel_loop3A_255 = arith.constant -4.000000e+02 : f32
      %parallel_loop3A_256 = vector.broadcast %parallel_loop3A_255 : f32 to vector<16xf32>
      %parallel_loop3A_257 = arith.mulf %parallel_loop3A_254, %parallel_loop3A_256 : vector<16xf32>
      %parallel_loop3A_258 = math.exp %parallel_loop3A_257 : vector<16xf32>
      %parallel_loop3A_259 = arith.constant 1.000000e+00 : f32
      %parallel_loop3A_260 = vector.broadcast %parallel_loop3A_259 : f32 to vector<16xf32>
      %parallel_loop3A_261 = arith.addf %parallel_loop3A_260, %parallel_loop3A_258 : vector<16xf32>
      %parallel_loop3A_262 = arith.constant 1.000000e+00 : f32
      %parallel_loop3A_263 = vector.broadcast %parallel_loop3A_262 : f32 to vector<16xf32>
      %parallel_loop3A_264 = arith.divf %parallel_loop3A_263, %parallel_loop3A_261 : vector<16xf32>
      %parallel_loop3A_265 = arith.index_cast %parallel_loop3A_212 : i32 to index
      %parallel_loop3A_266 = arith.constant 32 : index
      %parallel_loop3A_267 = tpu.vector_load %arg6[%parallel_loop3A_265, %parallel_loop3A_266] {strides = array<i32>} : memref<512x128xf32, #tpu.memory_space<vmem>>, vector<1x16xf32>,
      %parallel_loop3A_268 = vector.shape_cast %parallel_loop3A_267 : vector<1x16xf32> to vector<16xf32>
      %parallel_loop3A_269 = vector.shape_cast %parallel_loop3A_264 : vector<16xf32> to vector<1x16xf32>
      tpu.vector_store %arg6[%parallel_loop3A_265, %parallel_loop3A_266], %parallel_loop3A_269 {strides = array<i32>} : memref<512x128xf32, #tpu.memory_space<vmem>>, vector<1x16xf32>,
      %parallel_loop3A_270 = arith.index_cast %parallel_loop3A_212 : i32 to index
      %parallel_loop3A_271 = arith.constant 48 : index
      %parallel_loop3A_272 = tpu.vector_load %arg6[%parallel_loop3A_270, %parallel_loop3A_271] {strides = array<i32>} : memref<512x128xf32, #tpu.memory_space<vmem>>, vector<1x16xf32>,
      %parallel_loop3A_273 = vector.shape_cast %parallel_loop3A_272 : vector<1x16xf32> to vector<16xf32>
      %parallel_loop3A_274 = arith.constant -4.000000e+02 : f32
      %parallel_loop3A_275 = vector.broadcast %parallel_loop3A_274 : f32 to vector<16xf32>
      %parallel_loop3A_276 = arith.mulf %parallel_loop3A_273, %parallel_loop3A_275 : vector<16xf32>
      %parallel_loop3A_277 = math.exp %parallel_loop3A_276 : vector<16xf32>
      %parallel_loop3A_278 = arith.constant 1.000000e+00 : f32
      %parallel_loop3A_279 = vector.broadcast %parallel_loop3A_278 : f32 to vector<16xf32>
      %parallel_loop3A_280 = arith.addf %parallel_loop3A_279, %parallel_loop3A_277 : vector<16xf32>
      %parallel_loop3A_281 = arith.constant 1.000000e+00 : f32
      %parallel_loop3A_282 = vector.broadcast %parallel_loop3A_281 : f32 to vector<16xf32>
      %parallel_loop3A_283 = arith.divf %parallel_loop3A_282, %parallel_loop3A_280 : vector<16xf32>
      %parallel_loop3A_284 = arith.index_cast %parallel_loop3A_212 : i32 to index
      %parallel_loop3A_285 = arith.constant 48 : index
      %parallel_loop3A_286 = tpu.vector_load %arg6[%parallel_loop3A_284, %parallel_loop3A_285] {strides = array<i32>} : memref<512x128xf32, #tpu.memory_space<vmem>>, vector<1x16xf32>,
      %parallel_loop3A_287 = vector.shape_cast %parallel_loop3A_286 : vector<1x16xf32> to vector<16xf32>
      %parallel_loop3A_288 = vector.shape_cast %parallel_loop3A_283 : vector<16xf32> to vector<1x16xf32>
      tpu.vector_store %arg6[%parallel_loop3A_284, %parallel_loop3A_285], %parallel_loop3A_288 {strides = array<i32>} : memref<512x128xf32, #tpu.memory_space<vmem>>, vector<1x16xf32>,
      %parallel_loop3A_289 = arith.index_cast %parallel_loop3A_212 : i32 to index
      %parallel_loop3A_290 = arith.constant 64 : index
      %parallel_loop3A_291 = tpu.vector_load %arg6[%parallel_loop3A_289, %parallel_loop3A_290] {strides = array<i32>} : memref<512x128xf32, #tpu.memory_space<vmem>>, vector<1x16xf32>,
      %parallel_loop3A_292 = vector.shape_cast %parallel_loop3A_291 : vector<1x16xf32> to vector<16xf32>
      %parallel_loop3A_293 = arith.constant -4.000000e+02 : f32
      %parallel_loop3A_294 = vector.broadcast %parallel_loop3A_293 : f32 to vector<16xf32>
      %parallel_loop3A_295 = arith.mulf %parallel_loop3A_292, %parallel_loop3A_294 : vector<16xf32>
      %parallel_loop3A_296 = math.exp %parallel_loop3A_295 : vector<16xf32>
      %parallel_loop3A_297 = arith.constant 1.000000e+00 : f32
      %parallel_loop3A_298 = vector.broadcast %parallel_loop3A_297 : f32 to vector<16xf32>
      %parallel_loop3A_299 = arith.addf %parallel_loop3A_298, %parallel_loop3A_296 : vector<16xf32>
      %parallel_loop3A_300 = arith.constant 1.000000e+00 : f32
      %parallel_loop3A_301 = vector.broadcast %parallel_loop3A_300 : f32 to vector<16xf32>
      %parallel_loop3A_302 = arith.divf %parallel_loop3A_301, %parallel_loop3A_299 : vector<16xf32>
      %parallel_loop3A_303 = arith.index_cast %parallel_loop3A_212 : i32 to index
      %parallel_loop3A_304 = arith.constant 64 : index
      %parallel_loop3A_305 = tpu.vector_load %arg6[%parallel_loop3A_303, %parallel_loop3A_304] {strides = array<i32>} : memref<512x128xf32, #tpu.memory_space<vmem>>, vector<1x16xf32>,
      %parallel_loop3A_306 = vector.shape_cast %parallel_loop3A_305 : vector<1x16xf32> to vector<16xf32>
      %parallel_loop3A_307 = vector.shape_cast %parallel_loop3A_302 : vector<16xf32> to vector<1x16xf32>
      tpu.vector_store %arg6[%parallel_loop3A_303, %parallel_loop3A_304], %parallel_loop3A_307 {strides = array<i32>} : memref<512x128xf32, #tpu.memory_space<vmem>>, vector<1x16xf32>,
      %parallel_loop3A_308 = arith.index_cast %parallel_loop3A_212 : i32 to index
      %parallel_loop3A_309 = arith.constant 80 : index
      %parallel_loop3A_310 = tpu.vector_load %arg6[%parallel_loop3A_308, %parallel_loop3A_309] {strides = array<i32>} : memref<512x128xf32, #tpu.memory_space<vmem>>, vector<1x16xf32>,
      %parallel_loop3A_311 = vector.shape_cast %parallel_loop3A_310 : vector<1x16xf32> to vector<16xf32>
      %parallel_loop3A_312 = arith.constant -4.000000e+02 : f32
      %parallel_loop3A_313 = vector.broadcast %parallel_loop3A_312 : f32 to vector<16xf32>
      %parallel_loop3A_314 = arith.mulf %parallel_loop3A_311, %parallel_loop3A_313 : vector<16xf32>
      %parallel_loop3A_315 = math.exp %parallel_loop3A_314 : vector<16xf32>
      %parallel_loop3A_316 = arith.constant 1.000000e+00 : f32
      %parallel_loop3A_317 = vector.broadcast %parallel_loop3A_316 : f32 to vector<16xf32>
      %parallel_loop3A_318 = arith.addf %parallel_loop3A_317, %parallel_loop3A_315 : vector<16xf32>
      %parallel_loop3A_319 = arith.constant 1.000000e+00 : f32
      %parallel_loop3A_320 = vector.broadcast %parallel_loop3A_319 : f32 to vector<16xf32>
      %parallel_loop3A_321 = arith.divf %parallel_loop3A_320, %parallel_loop3A_318 : vector<16xf32>
      %parallel_loop3A_322 = arith.index_cast %parallel_loop3A_212 : i32 to index
      %parallel_loop3A_323 = arith.constant 80 : index
      %parallel_loop3A_324 = tpu.vector_load %arg6[%parallel_loop3A_322, %parallel_loop3A_323] {strides = array<i32>} : memref<512x128xf32, #tpu.memory_space<vmem>>, vector<1x16xf32>,
      %parallel_loop3A_325 = vector.shape_cast %parallel_loop3A_324 : vector<1x16xf32> to vector<16xf32>
      %parallel_loop3A_326 = vector.shape_cast %parallel_loop3A_321 : vector<16xf32> to vector<1x16xf32>
      tpu.vector_store %arg6[%parallel_loop3A_322, %parallel_loop3A_323], %parallel_loop3A_326 {strides = array<i32>} : memref<512x128xf32, #tpu.memory_space<vmem>>, vector<1x16xf32>,
      %parallel_loop3A_327 = arith.index_cast %parallel_loop3A_212 : i32 to index
      %parallel_loop3A_328 = arith.constant 96 : index
      %parallel_loop3A_329 = tpu.vector_load %arg6[%parallel_loop3A_327, %parallel_loop3A_328] {strides = array<i32>} : memref<512x128xf32, #tpu.memory_space<vmem>>, vector<1x16xf32>,
      %parallel_loop3A_330 = vector.shape_cast %parallel_loop3A_329 : vector<1x16xf32> to vector<16xf32>
      %parallel_loop3A_331 = arith.constant -4.000000e+02 : f32
      %parallel_loop3A_332 = vector.broadcast %parallel_loop3A_331 : f32 to vector<16xf32>
      %parallel_loop3A_333 = arith.mulf %parallel_loop3A_330, %parallel_loop3A_332 : vector<16xf32>
      %parallel_loop3A_334 = math.exp %parallel_loop3A_333 : vector<16xf32>
      %parallel_loop3A_335 = arith.constant 1.000000e+00 : f32
      %parallel_loop3A_336 = vector.broadcast %parallel_loop3A_335 : f32 to vector<16xf32>
      %parallel_loop3A_337 = arith.addf %parallel_loop3A_336, %parallel_loop3A_334 : vector<16xf32>
      %parallel_loop3A_338 = arith.constant 1.000000e+00 : f32
      %parallel_loop3A_339 = vector.broadcast %parallel_loop3A_338 : f32 to vector<16xf32>
      %parallel_loop3A_340 = arith.divf %parallel_loop3A_339, %parallel_loop3A_337 : vector<16xf32>
      %parallel_loop3A_341 = arith.index_cast %parallel_loop3A_212 : i32 to index
      %parallel_loop3A_342 = arith.constant 96 : index
      %parallel_loop3A_343 = tpu.vector_load %arg6[%parallel_loop3A_341, %parallel_loop3A_342] {strides = array<i32>} : memref<512x128xf32, #tpu.memory_space<vmem>>, vector<1x16xf32>,
      %parallel_loop3A_344 = vector.shape_cast %parallel_loop3A_343 : vector<1x16xf32> to vector<16xf32>
      %parallel_loop3A_345 = vector.shape_cast %parallel_loop3A_340 : vector<16xf32> to vector<1x16xf32>
      tpu.vector_store %arg6[%parallel_loop3A_341, %parallel_loop3A_342], %parallel_loop3A_345 {strides = array<i32>} : memref<512x128xf32, #tpu.memory_space<vmem>>, vector<1x16xf32>,
      %parallel_loop3A_346 = arith.index_cast %parallel_loop3A_212 : i32 to index
      %parallel_loop3A_347 = arith.constant 112 : index
      %parallel_loop3A_348 = tpu.vector_load %arg6[%parallel_loop3A_346, %parallel_loop3A_347] {strides = array<i32>} : memref<512x128xf32, #tpu.memory_space<vmem>>, vector<1x16xf32>,
      %parallel_loop3A_349 = vector.shape_cast %parallel_loop3A_348 : vector<1x16xf32> to vector<16xf32>
      %parallel_loop3A_350 = arith.constant -4.000000e+02 : f32
      %parallel_loop3A_351 = vector.broadcast %parallel_loop3A_350 : f32 to vector<16xf32>
      %parallel_loop3A_352 = arith.mulf %parallel_loop3A_349, %parallel_loop3A_351 : vector<16xf32>
      %parallel_loop3A_353 = math.exp %parallel_loop3A_352 : vector<16xf32>
      %parallel_loop3A_354 = arith.constant 1.000000e+00 : f32
      %parallel_loop3A_355 = vector.broadcast %parallel_loop3A_354 : f32 to vector<16xf32>
      %parallel_loop3A_356 = arith.addf %parallel_loop3A_355, %parallel_loop3A_353 : vector<16xf32>
      %parallel_loop3A_357 = arith.constant 1.000000e+00 : f32
      %parallel_loop3A_358 = vector.broadcast %parallel_loop3A_357 : f32 to vector<16xf32>
      %parallel_loop3A_359 = arith.divf %parallel_loop3A_358, %parallel_loop3A_356 : vector<16xf32>
      %parallel_loop3A_360 = arith.index_cast %parallel_loop3A_212 : i32 to index
      %parallel_loop3A_361 = arith.constant 112 : index
      %parallel_loop3A_362 = tpu.vector_load %arg6[%parallel_loop3A_360, %parallel_loop3A_361] {strides = array<i32>} : memref<512x128xf32, #tpu.memory_space<vmem>>, vector<1x16xf32>,
      %parallel_loop3A_363 = vector.shape_cast %parallel_loop3A_362 : vector<1x16xf32> to vector<16xf32>
      %parallel_loop3A_364 = vector.shape_cast %parallel_loop3A_359 : vector<16xf32> to vector<1x16xf32>
      tpu.vector_store %arg6[%parallel_loop3A_360, %parallel_loop3A_361], %parallel_loop3A_364 {strides = array<i32>} : memref<512x128xf32, #tpu.memory_space<vmem>>, vector<1x16xf32>,
    } {sc.loop_unroll_factor = 2 : i64, sc.parallel_access}
    %add3A_116 = arith.constant 256 : i32
    %add3A_117 = arith.addi %mul3A_2, %add3A_116 : i32
    %dma_start3A_118 = arith.constant 2 : i32
    %dma_start3A_119 = arith.constant 256 : i32
    %dma_start3A_120 = arith.constant 0 : i32
    %dma_start3A_121 = tpu.memref_slice %arg6[%dma_start3A_119, %dma_start3A_120] : memref<512x128xf32, #tpu.memory_space<vmem>> -> memref<128x128xf32, #tpu.memory_space<vmem>>
    %dma_start3A_122 = arith.constant 0 : i32
    %dma_start3A_123 = tpu.memref_slice %arg4[%add3A_117, %dma_start3A_122] : memref<16384x128xf32, #tpu.memory_space<hbm>> -> memref<128x128xf32, #tpu.memory_space<hbm>>
    %dma_start3A_124 = tpu.memref_slice %arg8[%dma_start3A_118] : memref<4x!tpu.dma_semaphore, #tpu.memory_space<semaphore_mem>> -> memref<1x!tpu.dma_semaphore, #tpu.memory_space<semaphore_mem>>
    %dma_start3A_125 = tpu.memref_squeeze %dma_start3A_124 : memref<1x!tpu.dma_semaphore, #tpu.memory_space<semaphore_mem>> -> memref<!tpu.dma_semaphore, #tpu.memory_space<semaphore_mem>>
    %dma_start3A_126 = arith.constant 0 : i32
    %dma_start3A_127 = tpu.memref_slice %arg4[%add3A_117, %dma_start3A_126] : memref<16384x128xf32, #tpu.memory_space<hbm>> -> memref<128x128xf32, #tpu.memory_space<hbm>>
    %dma_start3A_128 = arith.constant 256 : i32
    %dma_start3A_129 = arith.constant 0 : i32
    %dma_start3A_130 = tpu.memref_slice %arg6[%dma_start3A_128, %dma_start3A_129] : memref<512x128xf32, #tpu.memory_space<vmem>> -> memref<128x128xf32, #tpu.memory_space<vmem>>
    tpu.enqueue_dma source(%dma_start3A_130 : memref<128x128xf32, #tpu.memory_space<vmem>>) target(%dma_start3A_127 : memref<128x128xf32, #tpu.memory_space<hbm>>) target_semaphore(%dma_start3A_125 : memref<!tpu.dma_semaphore, #tpu.memory_space<semaphore_mem>>)
    %dma_wait3A_131 = arith.constant 3 : i32
    %dma_wait3A_132 = arith.constant 384 : i32
    %dma_wait3A_133 = arith.constant 0 : i32
    %dma_wait3A_134 = tpu.memref_slice %arg6[%dma_wait3A_132, %dma_wait3A_133] : memref<512x128xf32, #tpu.memory_space<vmem>> -> memref<128x128xf32, #tpu.memory_space<vmem>>
    %dma_wait3A_135 = arith.constant 384 : i32
    %dma_wait3A_136 = tpu.memref_slice %arg5[%dma_wait3A_135] : memref<512xi32, #tpu.memory_space<vmem>> -> memref<128xi32, #tpu.memory_space<vmem>>
    %dma_wait3A_137 = arith.constant 0 : i32
    %dma_wait3A_138 = arith.constant 0 : i32
    %dma_wait3A_139 = tpu.memref_slice %arg3[%dma_wait3A_137, %dma_wait3A_138] : memref<100000x128xf32, #tpu.memory_space<hbm>> -> memref<100000x128xf32, #tpu.memory_space<hbm>>
    %dma_wait3A_140 = tpu.memref_slice %arg7[%dma_wait3A_131] : memref<4x!tpu.dma_semaphore, #tpu.memory_space<semaphore_mem>> -> memref<1x!tpu.dma_semaphore, #tpu.memory_space<semaphore_mem>>
    %dma_wait3A_141 = tpu.memref_squeeze %dma_wait3A_140 : memref<1x!tpu.dma_semaphore, #tpu.memory_space<semaphore_mem>> -> memref<!tpu.dma_semaphore, #tpu.memory_space<semaphore_mem>>
    tpu.wait_indirect_dma semaphore(%dma_wait3A_141 : memref<!tpu.dma_semaphore, #tpu.memory_space<semaphore_mem>>) src(%dma_wait3A_139 : memref<100000x128xf32, #tpu.memory_space<hbm>>) dst(%dma_wait3A_134 : memref<128x128xf32, #tpu.memory_space<vmem>>)
    %parallel_loop3A_142 = arith.constant 384 : i32
    %parallel_loop3A_143 = arith.constant 512 : i32
    %parallel_loop3A_144 = arith.constant 1 : i32
    scf.for %parallel_loop3A_212 = %parallel_loop3A_142 to %parallel_loop3A_143 step %parallel_loop3A_144  : i32 {
      %parallel_loop3A_213 = arith.index_cast %parallel_loop3A_212 : i32 to index
      %parallel_loop3A_214 = arith.constant 0 : index
      %parallel_loop3A_215 = tpu.vector_load %arg6[%parallel_loop3A_213, %parallel_loop3A_214] {strides = array<i32>} : memref<512x128xf32, #tpu.memory_space<vmem>>, vector<1x16xf32>,
      %parallel_loop3A_216 = vector.shape_cast %parallel_loop3A_215 : vector<1x16xf32> to vector<16xf32>
      %parallel_loop3A_217 = arith.constant -4.000000e+02 : f32
      %parallel_loop3A_218 = vector.broadcast %parallel_loop3A_217 : f32 to vector<16xf32>
      %parallel_loop3A_219 = arith.mulf %parallel_loop3A_216, %parallel_loop3A_218 : vector<16xf32>
      %parallel_loop3A_220 = math.exp %parallel_loop3A_219 : vector<16xf32>
      %parallel_loop3A_221 = arith.constant 1.000000e+00 : f32
      %parallel_loop3A_222 = vector.broadcast %parallel_loop3A_221 : f32 to vector<16xf32>
      %parallel_loop3A_223 = arith.addf %parallel_loop3A_222, %parallel_loop3A_220 : vector<16xf32>
      %parallel_loop3A_224 = arith.constant 1.000000e+00 : f32
      %parallel_loop3A_225 = vector.broadcast %parallel_loop3A_224 : f32 to vector<16xf32>
      %parallel_loop3A_226 = arith.divf %parallel_loop3A_225, %parallel_loop3A_223 : vector<16xf32>
      %parallel_loop3A_227 = arith.index_cast %parallel_loop3A_212 : i32 to index
      %parallel_loop3A_228 = arith.constant 0 : index
      %parallel_loop3A_229 = tpu.vector_load %arg6[%parallel_loop3A_227, %parallel_loop3A_228] {strides = array<i32>} : memref<512x128xf32, #tpu.memory_space<vmem>>, vector<1x16xf32>,
      %parallel_loop3A_230 = vector.shape_cast %parallel_loop3A_229 : vector<1x16xf32> to vector<16xf32>
      %parallel_loop3A_231 = vector.shape_cast %parallel_loop3A_226 : vector<16xf32> to vector<1x16xf32>
      tpu.vector_store %arg6[%parallel_loop3A_227, %parallel_loop3A_228], %parallel_loop3A_231 {strides = array<i32>} : memref<512x128xf32, #tpu.memory_space<vmem>>, vector<1x16xf32>,
      %parallel_loop3A_232 = arith.index_cast %parallel_loop3A_212 : i32 to index
      %parallel_loop3A_233 = arith.constant 16 : index
      %parallel_loop3A_234 = tpu.vector_load %arg6[%parallel_loop3A_232, %parallel_loop3A_233] {strides = array<i32>} : memref<512x128xf32, #tpu.memory_space<vmem>>, vector<1x16xf32>,
      %parallel_loop3A_235 = vector.shape_cast %parallel_loop3A_234 : vector<1x16xf32> to vector<16xf32>
      %parallel_loop3A_236 = arith.constant -4.000000e+02 : f32
      %parallel_loop3A_237 = vector.broadcast %parallel_loop3A_236 : f32 to vector<16xf32>
      %parallel_loop3A_238 = arith.mulf %parallel_loop3A_235, %parallel_loop3A_237 : vector<16xf32>
      %parallel_loop3A_239 = math.exp %parallel_loop3A_238 : vector<16xf32>
      %parallel_loop3A_240 = arith.constant 1.000000e+00 : f32
      %parallel_loop3A_241 = vector.broadcast %parallel_loop3A_240 : f32 to vector<16xf32>
      %parallel_loop3A_242 = arith.addf %parallel_loop3A_241, %parallel_loop3A_239 : vector<16xf32>
      %parallel_loop3A_243 = arith.constant 1.000000e+00 : f32
      %parallel_loop3A_244 = vector.broadcast %parallel_loop3A_243 : f32 to vector<16xf32>
      %parallel_loop3A_245 = arith.divf %parallel_loop3A_244, %parallel_loop3A_242 : vector<16xf32>
      %parallel_loop3A_246 = arith.index_cast %parallel_loop3A_212 : i32 to index
      %parallel_loop3A_247 = arith.constant 16 : index
      %parallel_loop3A_248 = tpu.vector_load %arg6[%parallel_loop3A_246, %parallel_loop3A_247] {strides = array<i32>} : memref<512x128xf32, #tpu.memory_space<vmem>>, vector<1x16xf32>,
      %parallel_loop3A_249 = vector.shape_cast %parallel_loop3A_248 : vector<1x16xf32> to vector<16xf32>
      %parallel_loop3A_250 = vector.shape_cast %parallel_loop3A_245 : vector<16xf32> to vector<1x16xf32>
      tpu.vector_store %arg6[%parallel_loop3A_246, %parallel_loop3A_247], %parallel_loop3A_250 {strides = array<i32>} : memref<512x128xf32, #tpu.memory_space<vmem>>, vector<1x16xf32>,
      %parallel_loop3A_251 = arith.index_cast %parallel_loop3A_212 : i32 to index
      %parallel_loop3A_252 = arith.constant 32 : index
      %parallel_loop3A_253 = tpu.vector_load %arg6[%parallel_loop3A_251, %parallel_loop3A_252] {strides = array<i32>} : memref<512x128xf32, #tpu.memory_space<vmem>>, vector<1x16xf32>,
      %parallel_loop3A_254 = vector.shape_cast %parallel_loop3A_253 : vector<1x16xf32> to vector<16xf32>
      %parallel_loop3A_255 = arith.constant -4.000000e+02 : f32
      %parallel_loop3A_256 = vector.broadcast %parallel_loop3A_255 : f32 to vector<16xf32>
      %parallel_loop3A_257 = arith.mulf %parallel_loop3A_254, %parallel_loop3A_256 : vector<16xf32>
      %parallel_loop3A_258 = math.exp %parallel_loop3A_257 : vector<16xf32>
      %parallel_loop3A_259 = arith.constant 1.000000e+00 : f32
      %parallel_loop3A_260 = vector.broadcast %parallel_loop3A_259 : f32 to vector<16xf32>
      %parallel_loop3A_261 = arith.addf %parallel_loop3A_260, %parallel_loop3A_258 : vector<16xf32>
      %parallel_loop3A_262 = arith.constant 1.000000e+00 : f32
      %parallel_loop3A_263 = vector.broadcast %parallel_loop3A_262 : f32 to vector<16xf32>
      %parallel_loop3A_264 = arith.divf %parallel_loop3A_263, %parallel_loop3A_261 : vector<16xf32>
      %parallel_loop3A_265 = arith.index_cast %parallel_loop3A_212 : i32 to index
      %parallel_loop3A_266 = arith.constant 32 : index
      %parallel_loop3A_267 = tpu.vector_load %arg6[%parallel_loop3A_265, %parallel_loop3A_266] {strides = array<i32>} : memref<512x128xf32, #tpu.memory_space<vmem>>, vector<1x16xf32>,
      %parallel_loop3A_268 = vector.shape_cast %parallel_loop3A_267 : vector<1x16xf32> to vector<16xf32>
      %parallel_loop3A_269 = vector.shape_cast %parallel_loop3A_264 : vector<16xf32> to vector<1x16xf32>
      tpu.vector_store %arg6[%parallel_loop3A_265, %parallel_loop3A_266], %parallel_loop3A_269 {strides = array<i32>} : memref<512x128xf32, #tpu.memory_space<vmem>>, vector<1x16xf32>,
      %parallel_loop3A_270 = arith.index_cast %parallel_loop3A_212 : i32 to index
      %parallel_loop3A_271 = arith.constant 48 : index
      %parallel_loop3A_272 = tpu.vector_load %arg6[%parallel_loop3A_270, %parallel_loop3A_271] {strides = array<i32>} : memref<512x128xf32, #tpu.memory_space<vmem>>, vector<1x16xf32>,
      %parallel_loop3A_273 = vector.shape_cast %parallel_loop3A_272 : vector<1x16xf32> to vector<16xf32>
      %parallel_loop3A_274 = arith.constant -4.000000e+02 : f32
      %parallel_loop3A_275 = vector.broadcast %parallel_loop3A_274 : f32 to vector<16xf32>
      %parallel_loop3A_276 = arith.mulf %parallel_loop3A_273, %parallel_loop3A_275 : vector<16xf32>
      %parallel_loop3A_277 = math.exp %parallel_loop3A_276 : vector<16xf32>
      %parallel_loop3A_278 = arith.constant 1.000000e+00 : f32
      %parallel_loop3A_279 = vector.broadcast %parallel_loop3A_278 : f32 to vector<16xf32>
      %parallel_loop3A_280 = arith.addf %parallel_loop3A_279, %parallel_loop3A_277 : vector<16xf32>
      %parallel_loop3A_281 = arith.constant 1.000000e+00 : f32
      %parallel_loop3A_282 = vector.broadcast %parallel_loop3A_281 : f32 to vector<16xf32>
      %parallel_loop3A_283 = arith.divf %parallel_loop3A_282, %parallel_loop3A_280 : vector<16xf32>
      %parallel_loop3A_284 = arith.index_cast %parallel_loop3A_212 : i32 to index
      %parallel_loop3A_285 = arith.constant 48 : index
      %parallel_loop3A_286 = tpu.vector_load %arg6[%parallel_loop3A_284, %parallel_loop3A_285] {strides = array<i32>} : memref<512x128xf32, #tpu.memory_space<vmem>>, vector<1x16xf32>,
      %parallel_loop3A_287 = vector.shape_cast %parallel_loop3A_286 : vector<1x16xf32> to vector<16xf32>
      %parallel_loop3A_288 = vector.shape_cast %parallel_loop3A_283 : vector<16xf32> to vector<1x16xf32>
      tpu.vector_store %arg6[%parallel_loop3A_284, %parallel_loop3A_285], %parallel_loop3A_288 {strides = array<i32>} : memref<512x128xf32, #tpu.memory_space<vmem>>, vector<1x16xf32>,
      %parallel_loop3A_289 = arith.index_cast %parallel_loop3A_212 : i32 to index
      %parallel_loop3A_290 = arith.constant 64 : index
      %parallel_loop3A_291 = tpu.vector_load %arg6[%parallel_loop3A_289, %parallel_loop3A_290] {strides = array<i32>} : memref<512x128xf32, #tpu.memory_space<vmem>>, vector<1x16xf32>,
      %parallel_loop3A_292 = vector.shape_cast %parallel_loop3A_291 : vector<1x16xf32> to vector<16xf32>
      %parallel_loop3A_293 = arith.constant -4.000000e+02 : f32
      %parallel_loop3A_294 = vector.broadcast %parallel_loop3A_293 : f32 to vector<16xf32>
      %parallel_loop3A_295 = arith.mulf %parallel_loop3A_292, %parallel_loop3A_294 : vector<16xf32>
      %parallel_loop3A_296 = math.exp %parallel_loop3A_295 : vector<16xf32>
      %parallel_loop3A_297 = arith.constant 1.000000e+00 : f32
      %parallel_loop3A_298 = vector.broadcast %parallel_loop3A_297 : f32 to vector<16xf32>
      %parallel_loop3A_299 = arith.addf %parallel_loop3A_298, %parallel_loop3A_296 : vector<16xf32>
      %parallel_loop3A_300 = arith.constant 1.000000e+00 : f32
      %parallel_loop3A_301 = vector.broadcast %parallel_loop3A_300 : f32 to vector<16xf32>
      %parallel_loop3A_302 = arith.divf %parallel_loop3A_301, %parallel_loop3A_299 : vector<16xf32>
      %parallel_loop3A_303 = arith.index_cast %parallel_loop3A_212 : i32 to index
      %parallel_loop3A_304 = arith.constant 64 : index
      %parallel_loop3A_305 = tpu.vector_load %arg6[%parallel_loop3A_303, %parallel_loop3A_304] {strides = array<i32>} : memref<512x128xf32, #tpu.memory_space<vmem>>, vector<1x16xf32>,
      %parallel_loop3A_306 = vector.shape_cast %parallel_loop3A_305 : vector<1x16xf32> to vector<16xf32>
      %parallel_loop3A_307 = vector.shape_cast %parallel_loop3A_302 : vector<16xf32> to vector<1x16xf32>
      tpu.vector_store %arg6[%parallel_loop3A_303, %parallel_loop3A_304], %parallel_loop3A_307 {strides = array<i32>} : memref<512x128xf32, #tpu.memory_space<vmem>>, vector<1x16xf32>,
      %parallel_loop3A_308 = arith.index_cast %parallel_loop3A_212 : i32 to index
      %parallel_loop3A_309 = arith.constant 80 : index
      %parallel_loop3A_310 = tpu.vector_load %arg6[%parallel_loop3A_308, %parallel_loop3A_309] {strides = array<i32>} : memref<512x128xf32, #tpu.memory_space<vmem>>, vector<1x16xf32>,
      %parallel_loop3A_311 = vector.shape_cast %parallel_loop3A_310 : vector<1x16xf32> to vector<16xf32>
      %parallel_loop3A_312 = arith.constant -4.000000e+02 : f32
      %parallel_loop3A_313 = vector.broadcast %parallel_loop3A_312 : f32 to vector<16xf32>
      %parallel_loop3A_314 = arith.mulf %parallel_loop3A_311, %parallel_loop3A_313 : vector<16xf32>
      %parallel_loop3A_315 = math.exp %parallel_loop3A_314 : vector<16xf32>
      %parallel_loop3A_316 = arith.constant 1.000000e+00 : f32
      %parallel_loop3A_317 = vector.broadcast %parallel_loop3A_316 : f32 to vector<16xf32>
      %parallel_loop3A_318 = arith.addf %parallel_loop3A_317, %parallel_loop3A_315 : vector<16xf32>
      %parallel_loop3A_319 = arith.constant 1.000000e+00 : f32
      %parallel_loop3A_320 = vector.broadcast %parallel_loop3A_319 : f32 to vector<16xf32>
      %parallel_loop3A_321 = arith.divf %parallel_loop3A_320, %parallel_loop3A_318 : vector<16xf32>
      %parallel_loop3A_322 = arith.index_cast %parallel_loop3A_212 : i32 to index
      %parallel_loop3A_323 = arith.constant 80 : index
      %parallel_loop3A_324 = tpu.vector_load %arg6[%parallel_loop3A_322, %parallel_loop3A_323] {strides = array<i32>} : memref<512x128xf32, #tpu.memory_space<vmem>>, vector<1x16xf32>,
      %parallel_loop3A_325 = vector.shape_cast %parallel_loop3A_324 : vector<1x16xf32> to vector<16xf32>
      %parallel_loop3A_326 = vector.shape_cast %parallel_loop3A_321 : vector<16xf32> to vector<1x16xf32>
      tpu.vector_store %arg6[%parallel_loop3A_322, %parallel_loop3A_323], %parallel_loop3A_326 {strides = array<i32>} : memref<512x128xf32, #tpu.memory_space<vmem>>, vector<1x16xf32>,
      %parallel_loop3A_327 = arith.index_cast %parallel_loop3A_212 : i32 to index
      %parallel_loop3A_328 = arith.constant 96 : index
      %parallel_loop3A_329 = tpu.vector_load %arg6[%parallel_loop3A_327, %parallel_loop3A_328] {strides = array<i32>} : memref<512x128xf32, #tpu.memory_space<vmem>>, vector<1x16xf32>,
      %parallel_loop3A_330 = vector.shape_cast %parallel_loop3A_329 : vector<1x16xf32> to vector<16xf32>
      %parallel_loop3A_331 = arith.constant -4.000000e+02 : f32
      %parallel_loop3A_332 = vector.broadcast %parallel_loop3A_331 : f32 to vector<16xf32>
      %parallel_loop3A_333 = arith.mulf %parallel_loop3A_330, %parallel_loop3A_332 : vector<16xf32>
      %parallel_loop3A_334 = math.exp %parallel_loop3A_333 : vector<16xf32>
      %parallel_loop3A_335 = arith.constant 1.000000e+00 : f32
      %parallel_loop3A_336 = vector.broadcast %parallel_loop3A_335 : f32 to vector<16xf32>
      %parallel_loop3A_337 = arith.addf %parallel_loop3A_336, %parallel_loop3A_334 : vector<16xf32>
      %parallel_loop3A_338 = arith.constant 1.000000e+00 : f32
      %parallel_loop3A_339 = vector.broadcast %parallel_loop3A_338 : f32 to vector<16xf32>
      %parallel_loop3A_340 = arith.divf %parallel_loop3A_339, %parallel_loop3A_337 : vector<16xf32>
      %parallel_loop3A_341 = arith.index_cast %parallel_loop3A_212 : i32 to index
      %parallel_loop3A_342 = arith.constant 96 : index
      %parallel_loop3A_343 = tpu.vector_load %arg6[%parallel_loop3A_341, %parallel_loop3A_342] {strides = array<i32>} : memref<512x128xf32, #tpu.memory_space<vmem>>, vector<1x16xf32>,
      %parallel_loop3A_344 = vector.shape_cast %parallel_loop3A_343 : vector<1x16xf32> to vector<16xf32>
      %parallel_loop3A_345 = vector.shape_cast %parallel_loop3A_340 : vector<16xf32> to vector<1x16xf32>
      tpu.vector_store %arg6[%parallel_loop3A_341, %parallel_loop3A_342], %parallel_loop3A_345 {strides = array<i32>} : memref<512x128xf32, #tpu.memory_space<vmem>>, vector<1x16xf32>,
      %parallel_loop3A_346 = arith.index_cast %parallel_loop3A_212 : i32 to index
      %parallel_loop3A_347 = arith.constant 112 : index
      %parallel_loop3A_348 = tpu.vector_load %arg6[%parallel_loop3A_346, %parallel_loop3A_347] {strides = array<i32>} : memref<512x128xf32, #tpu.memory_space<vmem>>, vector<1x16xf32>,
      %parallel_loop3A_349 = vector.shape_cast %parallel_loop3A_348 : vector<1x16xf32> to vector<16xf32>
      %parallel_loop3A_350 = arith.constant -4.000000e+02 : f32
      %parallel_loop3A_351 = vector.broadcast %parallel_loop3A_350 : f32 to vector<16xf32>
      %parallel_loop3A_352 = arith.mulf %parallel_loop3A_349, %parallel_loop3A_351 : vector<16xf32>
      %parallel_loop3A_353 = math.exp %parallel_loop3A_352 : vector<16xf32>
      %parallel_loop3A_354 = arith.constant 1.000000e+00 : f32
      %parallel_loop3A_355 = vector.broadcast %parallel_loop3A_354 : f32 to vector<16xf32>
      %parallel_loop3A_356 = arith.addf %parallel_loop3A_355, %parallel_loop3A_353 : vector<16xf32>
      %parallel_loop3A_357 = arith.constant 1.000000e+00 : f32
      %parallel_loop3A_358 = vector.broadcast %parallel_loop3A_357 : f32 to vector<16xf32>
      %parallel_loop3A_359 = arith.divf %parallel_loop3A_358, %parallel_loop3A_356 : vector<16xf32>
      %parallel_loop3A_360 = arith.index_cast %parallel_loop3A_212 : i32 to index
      %parallel_loop3A_361 = arith.constant 112 : index
      %parallel_loop3A_362 = tpu.vector_load %arg6[%parallel_loop3A_360, %parallel_loop3A_361] {strides = array<i32>} : memref<512x128xf32, #tpu.memory_space<vmem>>, vector<1x16xf32>,
      %parallel_loop3A_363 = vector.shape_cast %parallel_loop3A_362 : vector<1x16xf32> to vector<16xf32>
      %parallel_loop3A_364 = vector.shape_cast %parallel_loop3A_359 : vector<16xf32> to vector<1x16xf32>
      tpu.vector_store %arg6[%parallel_loop3A_360, %parallel_loop3A_361], %parallel_loop3A_364 {strides = array<i32>} : memref<512x128xf32, #tpu.memory_space<vmem>>, vector<1x16xf32>,
    } {sc.loop_unroll_factor = 2 : i64, sc.parallel_access}
    %add3A_145 = arith.constant 384 : i32
    %add3A_146 = arith.addi %mul3A_2, %add3A_145 : i32
    %dma_start3A_147 = arith.constant 3 : i32
    %dma_start3A_148 = arith.constant 384 : i32
    %dma_start3A_149 = arith.constant 0 : i32
    %dma_start3A_150 = tpu.memref_slice %arg6[%dma_start3A_148, %dma_start3A_149] : memref<512x128xf32, #tpu.memory_space<vmem>> -> memref<128x128xf32, #tpu.memory_space<vmem>>
    %dma_start3A_151 = arith.constant 0 : i32
    %dma_start3A_152 = tpu.memref_slice %arg4[%add3A_146, %dma_start3A_151] : memref<16384x128xf32, #tpu.memory_space<hbm>> -> memref<128x128xf32, #tpu.memory_space<hbm>>
    %dma_start3A_153 = tpu.memref_slice %arg8[%dma_start3A_147] : memref<4x!tpu.dma_semaphore, #tpu.memory_space<semaphore_mem>> -> memref<1x!tpu.dma_semaphore, #tpu.memory_space<semaphore_mem>>
    %dma_start3A_154 = tpu.memref_squeeze %dma_start3A_153 : memref<1x!tpu.dma_semaphore, #tpu.memory_space<semaphore_mem>> -> memref<!tpu.dma_semaphore, #tpu.memory_space<semaphore_mem>>
    %dma_start3A_155 = arith.constant 0 : i32
    %dma_start3A_156 = tpu.memref_slice %arg4[%add3A_146, %dma_start3A_155] : memref<16384x128xf32, #tpu.memory_space<hbm>> -> memref<128x128xf32, #tpu.memory_space<hbm>>
    %dma_start3A_157 = arith.constant 384 : i32
    %dma_start3A_158 = arith.constant 0 : i32
    %dma_start3A_159 = tpu.memref_slice %arg6[%dma_start3A_157, %dma_start3A_158] : memref<512x128xf32, #tpu.memory_space<vmem>> -> memref<128x128xf32, #tpu.memory_space<vmem>>
    tpu.enqueue_dma source(%dma_start3A_159 : memref<128x128xf32, #tpu.memory_space<vmem>>) target(%dma_start3A_156 : memref<128x128xf32, #tpu.memory_space<hbm>>) target_semaphore(%dma_start3A_154 : memref<!tpu.dma_semaphore, #tpu.memory_space<semaphore_mem>>)
    %dma_wait3A_160 = arith.constant 0 : i32
    %dma_wait3A_161 = arith.constant 0 : i32
    %dma_wait3A_162 = arith.constant 0 : i32
    %dma_wait3A_163 = tpu.memref_slice %arg6[%dma_wait3A_161, %dma_wait3A_162] : memref<512x128xf32, #tpu.memory_space<vmem>> -> memref<128x128xf32, #tpu.memory_space<vmem>>
    %dma_wait3A_164 = arith.constant 0 : i32
    %dma_wait3A_165 = tpu.memref_slice %arg4[%add3A_59, %dma_wait3A_164] : memref<16384x128xf32, #tpu.memory_space<hbm>> -> memref<128x128xf32, #tpu.memory_space<hbm>>
    %dma_wait3A_166 = tpu.memref_slice %arg8[%dma_wait3A_160] : memref<4x!tpu.dma_semaphore, #tpu.memory_space<semaphore_mem>> -> memref<1x!tpu.dma_semaphore, #tpu.memory_space<semaphore_mem>>
    %dma_wait3A_167 = tpu.memref_squeeze %dma_wait3A_166 : memref<1x!tpu.dma_semaphore, #tpu.memory_space<semaphore_mem>> -> memref<!tpu.dma_semaphore, #tpu.memory_space<semaphore_mem>>
    %dma_wait3A_168 = arith.constant 0 : i32
    %dma_wait3A_169 = tpu.memref_slice %arg4[%add3A_59, %dma_wait3A_168] : memref<16384x128xf32, #tpu.memory_space<hbm>> -> memref<128x128xf32, #tpu.memory_space<hbm>>
    %dma_wait3A_170 = arith.constant 0 : i32
    %dma_wait3A_171 = arith.constant 0 : i32
    %dma_wait3A_172 = tpu.memref_slice %arg6[%dma_wait3A_170, %dma_wait3A_171] : memref<512x128xf32, #tpu.memory_space<vmem>> -> memref<128x128xf32, #tpu.memory_space<vmem>>
    tpu.wait_dma2 semaphore(%dma_wait3A_167 : memref<!tpu.dma_semaphore, #tpu.memory_space<semaphore_mem>>) src(%dma_wait3A_172 : memref<128x128xf32, #tpu.memory_space<vmem>>) dst(%dma_wait3A_169 : memref<128x128xf32, #tpu.memory_space<hbm>>)
    %dma_wait3A_173 = arith.constant 1 : i32
    %dma_wait3A_174 = arith.constant 128 : i32
    %dma_wait3A_175 = arith.constant 0 : i32
    %dma_wait3A_176 = tpu.memref_slice %arg6[%dma_wait3A_174, %dma_wait3A_175] : memref<512x128xf32, #tpu.memory_space<vmem>> -> memref<128x128xf32, #tpu.memory_space<vmem>>
    %dma_wait3A_177 = arith.constant 0 : i32
    %dma_wait3A_178 = tpu.memref_slice %arg4[%add3A_88, %dma_wait3A_177] : memref<16384x128xf32, #tpu.memory_space<hbm>> -> memref<128x128xf32, #tpu.memory_space<hbm>>
    %dma_wait3A_179 = tpu.memref_slice %arg8[%dma_wait3A_173] : memref<4x!tpu.dma_semaphore, #tpu.memory_space<semaphore_mem>> -> memref<1x!tpu.dma_semaphore, #tpu.memory_space<semaphore_mem>>
    %dma_wait3A_180 = tpu.memref_squeeze %dma_wait3A_179 : memref<1x!tpu.dma_semaphore, #tpu.memory_space<semaphore_mem>> -> memref<!tpu.dma_semaphore, #tpu.memory_space<semaphore_mem>>
    %dma_wait3A_181 = arith.constant 0 : i32
    %dma_wait3A_182 = tpu.memref_slice %arg4[%add3A_88, %dma_wait3A_181] : memref<16384x128xf32, #tpu.memory_space<hbm>> -> memref<128x128xf32, #tpu.memory_space<hbm>>
    %dma_wait3A_183 = arith.constant 128 : i32
    %dma_wait3A_184 = arith.constant 0 : i32
    %dma_wait3A_185 = tpu.memref_slice %arg6[%dma_wait3A_183, %dma_wait3A_184] : memref<512x128xf32, #tpu.memory_space<vmem>> -> memref<128x128xf32, #tpu.memory_space<vmem>>
    tpu.wait_dma2 semaphore(%dma_wait3A_180 : memref<!tpu.dma_semaphore, #tpu.memory_space<semaphore_mem>>) src(%dma_wait3A_185 : memref<128x128xf32, #tpu.memory_space<vmem>>) dst(%dma_wait3A_182 : memref<128x128xf32, #tpu.memory_space<hbm>>)
    %dma_wait3A_186 = arith.constant 2 : i32
    %dma_wait3A_187 = arith.constant 256 : i32
    %dma_wait3A_188 = arith.constant 0 : i32
    %dma_wait3A_189 = tpu.memref_slice %arg6[%dma_wait3A_187, %dma_wait3A_188] : memref<512x128xf32, #tpu.memory_space<vmem>> -> memref<128x128xf32, #tpu.memory_space<vmem>>
    %dma_wait3A_190 = arith.constant 0 : i32
    %dma_wait3A_191 = tpu.memref_slice %arg4[%add3A_117, %dma_wait3A_190] : memref<16384x128xf32, #tpu.memory_space<hbm>> -> memref<128x128xf32, #tpu.memory_space<hbm>>
    %dma_wait3A_192 = tpu.memref_slice %arg8[%dma_wait3A_186] : memref<4x!tpu.dma_semaphore, #tpu.memory_space<semaphore_mem>> -> memref<1x!tpu.dma_semaphore, #tpu.memory_space<semaphore_mem>>
    %dma_wait3A_193 = tpu.memref_squeeze %dma_wait3A_192 : memref<1x!tpu.dma_semaphore, #tpu.memory_space<semaphore_mem>> -> memref<!tpu.dma_semaphore, #tpu.memory_space<semaphore_mem>>
    %dma_wait3A_194 = arith.constant 0 : i32
    %dma_wait3A_195 = tpu.memref_slice %arg4[%add3A_117, %dma_wait3A_194] : memref<16384x128xf32, #tpu.memory_space<hbm>> -> memref<128x128xf32, #tpu.memory_space<hbm>>
    %dma_wait3A_196 = arith.constant 256 : i32
    %dma_wait3A_197 = arith.constant 0 : i32
    %dma_wait3A_198 = tpu.memref_slice %arg6[%dma_wait3A_196, %dma_wait3A_197] : memref<512x128xf32, #tpu.memory_space<vmem>> -> memref<128x128xf32, #tpu.memory_space<vmem>>
    tpu.wait_dma2 semaphore(%dma_wait3A_193 : memref<!tpu.dma_semaphore, #tpu.memory_space<semaphore_mem>>) src(%dma_wait3A_198 : memref<128x128xf32, #tpu.memory_space<vmem>>) dst(%dma_wait3A_195 : memref<128x128xf32, #tpu.memory_space<hbm>>)
    %dma_wait3A_199 = arith.constant 3 : i32
    %dma_wait3A_200 = arith.constant 384 : i32
    %dma_wait3A_201 = arith.constant 0 : i32
    %dma_wait3A_202 = tpu.memref_slice %arg6[%dma_wait3A_200, %dma_wait3A_201] : memref<512x128xf32, #tpu.memory_space<vmem>> -> memref<128x128xf32, #tpu.memory_space<vmem>>
    %dma_wait3A_203 = arith.constant 0 : i32
    %dma_wait3A_204 = tpu.memref_slice %arg4[%add3A_146, %dma_wait3A_203] : memref<16384x128xf32, #tpu.memory_space<hbm>> -> memref<128x128xf32, #tpu.memory_space<hbm>>
    %dma_wait3A_205 = tpu.memref_slice %arg8[%dma_wait3A_199] : memref<4x!tpu.dma_semaphore, #tpu.memory_space<semaphore_mem>> -> memref<1x!tpu.dma_semaphore, #tpu.memory_space<semaphore_mem>>
    %dma_wait3A_206 = tpu.memref_squeeze %dma_wait3A_205 : memref<1x!tpu.dma_semaphore, #tpu.memory_space<semaphore_mem>> -> memref<!tpu.dma_semaphore, #tpu.memory_space<semaphore_mem>>
    %dma_wait3A_207 = arith.constant 0 : i32
    %dma_wait3A_208 = tpu.memref_slice %arg4[%add3A_146, %dma_wait3A_207] : memref<16384x128xf32, #tpu.memory_space<hbm>> -> memref<128x128xf32, #tpu.memory_space<hbm>>
    %dma_wait3A_209 = arith.constant 384 : i32
    %dma_wait3A_210 = arith.constant 0 : i32
    %dma_wait3A_211 = tpu.memref_slice %arg6[%dma_wait3A_209, %dma_wait3A_210] : memref<512x128xf32, #tpu.memory_space<vmem>> -> memref<128x128xf32, #tpu.memory_space<vmem>>
    tpu.wait_dma2 semaphore(%dma_wait3A_206 : memref<!tpu.dma_semaphore, #tpu.memory_space<semaphore_mem>>) src(%dma_wait3A_211 : memref<128x128xf32, #tpu.memory_space<vmem>>) dst(%dma_wait3A_208 : memref<128x128xf32, #tpu.memory_space<hbm>>)
    return
  }
}

</mosaic_0001>

<sc_bundles>
// kernel: kernel.3.cloned.1.call-start
scs
__scs_entry_jumppad:
0x0: {  	(pc) =	sbr.rel $0x88, $3  }
0x1: {  	(tag) =	ssettag $0x0;
	lr =	simm.s32 $0x1  }
0x2: {  	[smem:$0x3F9F] =	sst lr;
	_ =	strace $0xD0000000  }
0x3: {  	_ = 	snop  }
0x4: {  	_ = 	snop  }
0x5: {  	_ = 	snop  }
0x6: {  	_ = 	snop  }
0x7: {  	_ = 	snop  }
__scs_overlays_trampoline_lowered:
0x8: {  	[smem:$0x3FAE] =	sst s0  }
0x9: {  	[smem:$0x3FAF] =	sst s1  }
0xa: {  	[smem:$0x3FB0] =	sst s2  }
0xb: {  	[smem:$0x3FB1] =	sst s3  }
0xc: {  	[smem:$0x3FB2] =	sst s4  }
0xd: {  	[smem:$0x3FB3] =	sst s5  }
0xe: {  	[smem:$0x3FB4] =	sst s6  }
0xf: {  	[smem:$0x3FB5] =	sst s7  }
0x10: {  	[smem:$0x3FB6] =	sst s8  }
0x11: {  	[smem:$0x3FB7] =	sst s9;
	s0 =	simm.s32 @!p0 $0x0  }
0x12: {  	s1 =	sld [smem:$0x3F9D];
	s0 =	simm.s32 @p0 $0x1  }
0x13: {  	[smem:$0x3FB8] =	sst s0;
	s0 =	simm.s32 @!p1 $0x0  }
0x14: {  	s2 =	sld [smem:$0x3F9C];
	s0 =	simm.s32 @p1 $0x1  }
0x15: {  	[smem:$0x3FB9] =	sst s0;
	s0 =	simm.s32 @!p2 $0x0  }
0x16: {  	s3 =	sld [smem:$0x3FDB];
	s0 =	simm.s32 @p2 $0x1  }
0x17: {  	s4 =	simm.s32 $0x1BF5;
	[smem:$0x3FBB] =	sst s0  }
0x18: {  	s0 =	sld [smem:$0x3F9E];
	_ =	swait.ge [sflag:s4], $0x0  }
0x19: {  	s7 =	sld [smem:$0x3F9F]  }
0x1a: {  	s8 =	sadd.s32 $0xFFFFE003, lr  }
0x1b: {  	s9 =	sadd.s32 $0xFFFFFEF7, lr;
	s5 =	simm.s32 $0xFFFFFFFF;
	p2 =	slt.u32 s8, $0xFFFFF086  }
0x1c: {  	p1 =	slt.u32 s9, $0xF7A;
	s5 =	simm.s32 @!p2 $0x0  }
0x1d: {  	s5 =	simm.s32 @p1 $0x1;
	p0 =	seq.s32 s7, s2  }
0x1e: {  	s7 =	smul.u32 @!p0 $0xF7A, s2;
	p2 =	seq.s32 @!p0 s5, $0x0  }
0x1f: {  	s9 =	smul.u32 $0xF7A, s1;
	s8 =	simm.s32 @!p0 $0x1BF5;
	p2 =	por !p2, p0  }
0x20: {  	[sflag:s8] =	ssyncset.s32 @!p0 $0xFFFFF086;
	s6 =	sadd.s32 @!p0 s3, s7;
	s7 =	simm.s32 @!p0 $0x108  }
0x21: {  	s3 =	sadd.s32 s3, s9;
	s6 =	sadd.s32 @!p0 $0x88, s6;
	s7 =	simm.s32 @p2 $0x1082  }
0x22: {  	[simem:s7], [sflag:s8] =	dma.local @!p0 [hbm:s6], $0xF7A  }
0x23: {  	s9 =	sor.u32 $0xD0000000, s2;
	s6 =	simm.s32 $0x108;
	_ =	swait.ge @!p0 [sflag:s8], $0x0  }
0x24: {  	s3 =	sadd.s32 $0x88, s3;
	s6 =	simm.s32 @!p1 $0x1082;
	[sflag:s4] =	ssyncset.s32 $0xFFFFF086  }
0x25: {  	[simem:s6], [sflag:s4] =	dma.local [hbm:s3], $0xF7A  }
0x26: {  	[smem:$0x3F9F] =	sst s1;
	(tag) =	ssettag s2;
	_ =	strace s9  }
0x27: {  	s1 =	sld [smem:$0x3FAF]  }
0x28: {  	s2 =	sld [smem:$0x3FB0]  }
0x29: {  	s4 =	sld [smem:$0x3FB2]  }
0x2a: {  	p0 =	seq.s32 s5, $0x0;
	s5 =	sld [smem:$0x3FB3]  }
0x2b: {  	s6 =	sld [smem:$0x3FB4]  }
0x2c: {  	s7 =	sld [smem:$0x3FB5]  }
0x2d: {  	s3 =	simm.s32 $0x108;
	s8 =	sld [smem:$0x3FB6]  }
0x2e: {  	s3 =	simm.s32 @!p0 $0x1082;
	s9 =	sld [smem:$0x3FB7]  }
0x2f: {  	lr =	sadd.s32 s0, s3;
	s0 =	sld [smem:$0x3FAE]  }
0x30: {  	s3 =	sld [smem:$0x3FB1]  }
0x31: {  	[smem:$0x3FBA] =	sst s10  }
0x32: {  	s10 =	sld [smem:$0x3FB8];
	_ =	sdelay $0x3  }
0x33: {  	p0 =	seq.s32 s10, $0x1;
	s10 =	sld [smem:$0x3FBA];
	_ =	sdelay $0x3  }
0x34: {  	[smem:$0x3FBA] =	sst s10  }
0x35: {  	s10 =	sld [smem:$0x3FB9];
	_ =	sdelay $0x3  }
0x36: {  	p1 =	seq.s32 s10, $0x1;
	s10 =	sld [smem:$0x3FBA];
	_ =	sdelay $0x3  }
0x37: {  	[smem:$0x3FBA] =	sst s10  }
0x38: {  	s10 =	sld [smem:$0x3FBB]  }
0x39: {  	_ = 	snop;
	(pc) =	sbr.ind lr, $3  }
0x3a: {  	_ = 	snop  }
0x3b: {  	_ = 	snop  }
0x3c: {  	p2 =	seq.s32 s10, $0x1;
	s10 =	sld [smem:$0x3FBA]  }
0x3d: {  	_ =	shalt  }
0x3e: {  	_ =	shalt  }
0x3f: {  	_ =	shalt  }
0x40: {  	_ =	shalt  }
0x41: {  	_ =	shalt  }
0x42: {  	_ =	shalt  }
0x43: {  	_ =	shalt  }
0x44: {  	_ =	shalt  }
0x45: {  	_ =	shalt  }
0x46: {  	_ =	shalt  }
0x47: {  	_ =	shalt  }
0x48: {  	_ =	shalt  }
0x49: {  	_ =	shalt  }
0x4a: {  	_ =	shalt  }
0x4b: {  	_ =	shalt  }
0x4c: {  	_ =	shalt  }
0x4d: {  	_ =	shalt  }
0x4e: {  	_ =	shalt  }
0x4f: {  	_ =	shalt  }
0x50: {  	_ =	shalt  }
0x51: {  	_ =	shalt  }
0x52: {  	_ =	shalt  }
0x53: {  	_ =	shalt  }
0x54: {  	_ =	shalt  }
0x55: {  	_ =	shalt  }
0x56: {  	_ =	shalt  }
0x57: {  	_ =	shalt  }
0x58: {  	_ =	shalt  }
0x59: {  	_ =	shalt  }
0x5a: {  	_ =	shalt  }
0x5b: {  	_ =	shalt  }
0x5c: {  	_ =	shalt  }
0x5d: {  	_ =	shalt  }
0x5e: {  	_ =	shalt  }
0x5f: {  	_ =	shalt  }
0x60: {  	_ =	shalt  }
0x61: {  	_ =	shalt  }
0x62: {  	_ =	shalt  }
0x63: {  	_ =	shalt  }
0x64: {  	_ =	shalt  }
0x65: {  	_ =	shalt  }
0x66: {  	_ =	shalt  }
0x67: {  	_ =	shalt  }
0x68: {  	_ =	shalt  }
0x69: {  	_ =	shalt  }
0x6a: {  	_ =	shalt  }
0x6b: {  	_ =	shalt  }
0x6c: {  	_ =	shalt  }
0x6d: {  	_ =	shalt  }
0x6e: {  	_ =	shalt  }
0x6f: {  	_ =	shalt  }
0x70: {  	_ =	shalt  }
0x71: {  	_ =	shalt  }
0x72: {  	_ =	shalt  }
0x73: {  	_ =	shalt  }
0x74: {  	_ =	shalt  }
0x75: {  	_ =	shalt  }
0x76: {  	_ =	shalt  }
0x77: {  	_ =	shalt  }
0x78: {  	_ =	shalt  }
0x79: {  	_ =	shalt  }
0x7a: {  	_ =	shalt  }
0x7b: {  	_ =	shalt  }
0x7c: {  	_ =	shalt  }
0x7d: {  	_ =	shalt  }
0x7e: {  	_ =	shalt  }
0x7f: {  	_ =	shalt  }
0x80: {  	_ =	shalt  }
0x81: {  	_ =	shalt  }
0x82: {  	_ =	shalt  }
0x83: {  	_ =	shalt  }
0x84: {  	_ =	shalt  }
0x85: {  	_ =	shalt  }
0x86: {  	_ =	shalt  }
0x87: {  	_ =	shalt  }
.Lfunc_end0:
.L_simem_size_0:
called_computation_lowered:
.L_overlay_start_0:
0x88: {  	s2 =	sld [smem:$0x3FD9]  }
0x89: {  	s3 =	sld [smem:$0x3FFE];
	_ =	sdelay $0x1  }
0x8a: {  	s1 =	srdreg.scid  }
0x8b: {  	s0 =	sand.u32 $0x1, s1  }
0x8c: {  	s18 =	sshll.u32 s0, $0xA;
	s2 =	sadd.s32 s3, s2  }
0x8d: {  	s2 =	sadd.s32 s2, s18  }
0x8e: {  	[smem:$0x3FC6] =	sst s2  }
0x8f: {  	_ = 	snop  }
0x90: {  	s2 =	sld [smem:$0x3FC9]  }
0x91: {  	s19 =	sld [smem:$0x3FC8]  }
0x92: {  	s4 =	sld [smem:$0x3FD0];
	(tm) =	ssettm $0x1  }
0x93: {  	s5 =	sld [smem:$0x3FFB];
	_ =	sdelay $0x3  }
0x94: {  	_ =	strace s5  }
0x95: {  	s5 =	sld [smem:$0x3FFC];
	_ =	sdelay $0x3  }
0x96: {  	_ =	strace s5  }
0x97: {  	s5 =	sld [smem:$0x3FFD];
	_ =	sdelay $0x3  }
0x98: {  	_ =	strace s5  }
0x99: {  	_ =	strace $0x8FFFFFFF  }
0x9a: {  	s20 =	sld [smem:$0x3FDB];
	_ =	sdelay $0x1  }
0x9b: {  	s6 =	simm.s32 $_scs_section_size  }
0x9c: {  	s7 =	simm.s32 $_size__tile_overlayer_lowered;
	s8 =	simm.s32 $_tile_overlayer_lowered  }
0x9d: {  	s23 =	simm.s32 $0x1BFF;
	s22 =	sshll.u32 s8, $0x1;
	s5 =	sadd.s32 s6, s20  }
0x9e: {  	s9 =	simm.s32 $0x0;
	s21 =	sshll.u32 s7, $0x1;
	s7 =	sadd.s32 s22, s5  }
0x9f: {  	[timem:s9], [sflag:s23] =	dma.local [hbm:s7], s21  }
0xa0: {  	_ =	swait.ge [sflag:s23], s21  }
0xa1: {  	s6 =	ssub.s32 $0x0, s21;
	[sflag:s23] =	ssyncset.done $0x0  }
0xa2: {  	[sflag:s23] =	ssyncadd.s32 s6;
	_ =	sdelay $0x1  }
0xa3: {  	s24 =	simm.s32 $0x1B8B  }
0xa4: {  	_ =	swait.ge [sflag:s24], $0x1  }
0xa5: {  	[sflag:s24] =	ssyncset.done $0x0  }
0xa6: {  	s25 =	simm.s32 $0x1B8E;
	[sflag:s24] =	ssyncadd.s32 $0xFFFFFFFF  }
0xa7: {  	s26 =	simm.s32 $execute0_lowered;
	[smem:$0x3FD2] =	sst s25  }
0xa8: {  	s6 =	sshll.u32 s26, $0x1;
	_ =	strace $0x80000046;
	[dreg:$0x1] =	wrdreg $0xFFFFFFFF  }
0xa9: {  	s28 =	simm.s32 $_size_execute0_lowered;
	s5 =	sadd.s32 s5, s6;
	[dreg:$0x0] =	wrdreg $0x0  }
0xaa: {  	s6 =	sshll.u32 s28, $0x1;
	[dreg:$0x2] =	wrdreg s5  }
0xab: {  	[dreg:$0x3] =	wrdreg s6  }
0xac: {  	[dreg:$0x4] =	wrdreg $0xC0  }
0xad: {  	_ =	task [dreg:s9], $0x5FFFF  }
0xae: {  	[dreg:$0x1] =	wrdreg $0xFFFFFFFF  }
0xaf: {  	[dreg:$0x0] =	wrdreg $0x60  }
0xb0: {  	[dreg:$0x2] =	wrdreg s2  }
0xb1: {  	[dreg:$0x3] =	wrdreg s19  }
0xb2: {  	[dreg:$0x4] =	wrdreg s4  }
0xb3: {  	[dreg:$0x5] =	wrdreg $0x9  }
0xb4: {  	_ =	task.clear_ibuf [dreg:s9], $0x6FFFF;
	_ =	strace $0x90000046  }
0xb5: {  	s29 =	simm.s32 $0x9;
	_ =	strace $0x80000048  }
0xb6: {  	_ =	swait.ge [sflag:s29], $0x1  }
0xb7: {  	[sflag:s29] =	ssyncadd.s32 $0xFFFFFFFF  }
0xb8: {  	_ =	strace $0x90000048  }
0xb9: {  	_ =	sfence  }
0xba: {  	s30 =	sld [smem:$0x0];
	_ =	sdelay $0x2  }
0xbb: {  	s31 =	sshll.u32 s1, $0xD;
	s1 =	sshrl.u32 s1, $0x2  }
0xbc: {  	s3 =	sand.u32 $0x4000, s31;
	s1 =	sadd.s32 s1, s30  }
0xbd: {  	s0 =	sor.u32 s3, s0;
	s1 =	sshll.u32 s1, $0x11  }
0xbe: {  	s0 =	sor.u32 s1, s0  }
0xbf: {  	s0 =	sadd.s32 $0x8F2B, s0  }
0xc0: {  	[sflag:s0] =	ssyncadd.remote.s32 $0x1  }
0xc1: {  	_ =	sfence.sel $0xFFFF  }
0xc2: {  	[dreg:$0x0] =	wrdreg $0xFFFFFFFF;
	(pc) =	sbr.abs _section_cstart, $3  }
0xc3: {  	[dreg:$0x1] =	wrdreg $0xFFFFFFFF  }
0xc4: {  	_ =	task.clear_ibuf [dreg:s9], $0x2FFFF;
	_ =	strace $0x9FFFFFFF  }
0xc5: {  	(tm) =	ssettm $0x7FFFFFFF  }
tec
execute0_lowered:
.L_overlay_start_1:
0x0: {  	(tag) =	ssettag $0x1  }
0x1: {  	s4 =	rddreg [dreg:$0x0]  }
0x2: {  	s1 =	rddreg [dreg:$0x1]  }
0x3: {  	s5 =	rddreg [dreg:$0x2]  }
0x4: {  	s0 =	rddreg [dreg:$0x3];
	s6 =	srdreg.scid  }
0x5: {  	s3 =	simm.s32 $0x0;
	s2 =	stileid.u32;
	s11 =	simm.s32 $0x80  }
0x6: {  	s12 =	simm.s32 $0x200;
	s13 =	simm.s32 $0x4200;
	s14 =	simm.s32 $0x100  }
0x7: {  	s15 =	simm.s32 $0x8200;
	s16 =	simm.s32 $0x180;
	s17 =	simm.s32 $0xC200  }
0x8: {  	s18 =	simm.s32 $0x1;
	s19 =	simm.s32 $0x2;
	s20 =	simm.s32 $0x3  }
0x9: {  	s21 =	simm.s32 $0x4;
	s22 =	simm.s32 $0x5;
	s23 =	simm.s32 $0x6  }
0xa: {  	s24 =	simm.s32 $0x7;
	s25 =	simm.s32 $0x8;
	s6 =	sand.u32 $0x1, s6  }
0xb: {  	s26 =	simm.s32 $0x0;
	s7 =	sshll.u32 s2, $0xA;
	s8 =	sshll.u32 s6, $0x9  }
0xc: {  	[smem:$0x7FF] =	sst s3;
	s6 =	ssub.s32 $0x2, s6;
	s7 =	sor.u32 s8, s7  }
0xd: {  	_ =	strace $0x80000047;
	s31 =	sshrl.u32 s6, $0x1;
	s9 =	sshrl.u32 s7, $0x3  }
0xe: {  	s7 =	sshll.u32 s7, $0x4;
	s10 =	ssub.s32 s6, s31;
	s4 =	sadd.s32 s4, s9  }
0xf: {  	s5 =	sadd.s32 s5, s7;
	s9 =	smax.u32 s10, $0x1;
	s10 =	simm.s32 $0x9  }
0x10: {  	s6 =	sadd.s32 $0x800, s5;
	s7 =	sadd.s32 $0x1000, s5;
	s8 =	sadd.s32 $0x1800, s5  }
.LBB2_1:
0x11: {  	[tilespmem:s3], [sflag:$0x9] =	stream.linear.gather [hbm4b:s4+s3], $0x200, $0x38;
	[tilespmem:$0x10200] =	vst v63  }
0x12: {  	_ =	swait.ge [sflag:s10], $0x200  }
0x13: {  	[sflag:s10] =	ssyncset.done $0x0  }
0x14: {  	[sflag:s10] =	ssyncadd.s32 $0xFFFFFE00  }
0x15: {  	[tilespmem:s12], [sflag:$0x1] =	stream.indirect.gather [hbm4b:s1+s11], $0x80, s3, s11, $0xb8;
	[tilespmem:$0x10200] =	vst v63  }
0x16: {  	_ = 	snop  }
0x17: {  	[tilespmem:s13], [sflag:$0x2] =	stream.indirect.gather [hbm4b:s1+s11], $0x80, s11, s11, $0xb8;
	[tilespmem:$0x10200] =	vst v63  }
0x18: {  	_ = 	snop  }
0x19: {  	[tilespmem:s15], [sflag:$0x3] =	stream.indirect.gather [hbm4b:s1+s11], $0x80, s14, s11, $0xb8;
	[tilespmem:$0x10200] =	vst v63  }
0x1a: {  	_ = 	snop  }
0x1b: {  	[tilespmem:s17], [sflag:$0x4] =	stream.indirect.gather [hbm4b:s1+s11], $0x80, s16, s11, $0xb8;
	[tilespmem:$0x10200] =	vst v63  }
0x1c: {  	_ =	swait.ge [sflag:s18], $0x4000  }
0x1d: {  	[sflag:s18] =	ssyncset.done $0x0  }
0x1e: {  	s28 =	simm.s32 $0x280;
	[sflag:s18] =	ssyncadd.s32 $0xFFFFC000  }
0x1f: {  	v0 =	vld [tilespmem:s28+$0xFFFFFFE0]  }
0x20: {  	v1 =	vld [tilespmem:s28+$0xFFFFFFC0]  }
0x21: {  	v2 =	vld [tilespmem:s28+$0x10]  }
0x22: {  	v3 =	vld [tilespmem:s28+$0x60]  }
0x23: {  	v4 =	vld [tilespmem:s28+$0x30]  }
0x24: {  	v5 =	vld [tilespmem:s28+$0xFFFFFF90]  }
0x25: {  	v6 =	vld [tilespmem:s28+$0x20]  }
0x26: {  	v7 =	vld [tilespmem:s28+$0xFFFFFFB0]  }
0x27: {  	v9 =	vld [tilespmem:s28+$0xFFFFFFD0]  }
0x28: {  	v10 =	vld [tilespmem:s28+$0xFFFFFFF0]  }
0x29: {  	v11 =	vld [tilespmem:s28+$0xFFFFFFA0];
	v0 =	vmul.f32 $-4.000000000e+02, v0  }
0x2a: {  	v12 =	vld [tilespmem:s28+$0x70];
	v1 =	vmul.f32 $-4.000000000e+02, v1;
	v2 =	vmul.f32 $-4.000000000e+02, v2  }
0x2b: {  	v8 =	vld [tilespmem:s28+$0x50];
	v3 =	vmul.f32 $-4.000000000e+02, v3;
	v0 =	vmul.f32 $1.442695020e+00, v0  }
0x2c: {  	v5 =	vmul.f32 $-4.000000000e+02, v5;
	v6 =	vmul.f32 $-4.000000000e+02, v6  }
0x2d: {  	v4 =	vmul.f32 $-4.000000000e+02, v4;
	(erf) = vpow2.f32 v0  }
0x2e: {  	v9 =	vmul.f32 $-4.000000000e+02, v9;
	v11 =	vmul.f32 $-4.000000000e+02, v11  }
0x2f: {  	v12 =	vmul.f32 $-4.000000000e+02, v12;
	v10 =	vmul.f32 $-4.000000000e+02, v10  }
0x30: {  	v0 =	vmul.f32 $-4.000000000e+02, v7;
	v7 =	vmul.f32 $-4.000000000e+02, v8;
	v8 =	vld [tilespmem:s28+$0xFFFFFF80]  }
0x31: {  	v13 =	vld [tilespmem:s28+$0x0];
	v1 =	vmul.f32 $1.442695020e+00, v1;
	v6 =	vmul.f32 $1.442695020e+00, v6  }
0x32: {  	v4 =	vmul.f32 $1.442695020e+00, v4;
	v12 =	vmul.f32 $1.442695020e+00, v12  }
0x33: {  	v3 =	vmul.f32 $1.442695020e+00, v3;
	v2 =	vmul.f32 $1.442695020e+00, v2  }
0x34: {  	v10 =	vmul.f32 $1.442695020e+00, v10;
	(erf) = vpow2.f32 v4  }
0x35: {  	v4 =	vld [tilespmem:s28+$0x40];
	v7 =	vmul.f32 $1.442695020e+00, v7;
	v8 =	vmul.f32 $-4.000000000e+02, v8  }
0x36: {  	(erf) = vpow2.f32 v1;
	v1 =	vmul.f32 $-4.000000000e+02, v13;
	v13 =	vpop (erf)  }
0x37: {  	s29 =	simm.s32 $0x380;
	(erf) = vpow2.f32 v7;
	v7 =	vmul.f32 $1.442695020e+00, v8;
	v8 =	vadd.f32 $1.000000000e+00, v13  }
0x38: {  	v9 =	vmul.f32 $1.442695020e+00, v9;
	v5 =	vmul.f32 $1.442695020e+00, v5;
	v13 =	vld [tilespmem:s29+$0xFFFFFFE0]  }
0x39: {  	v14 =	vld [tilespmem:s29+$0xFFFFFFC0];
	v0 =	vmul.f32 $1.442695020e+00, v0;
	(erf) = vrcp.f32 v8  }
0x3a: {  	v4 =	vmul.f32 $-4.000000000e+02, v4;
	(erf) = vpow2.f32 v10  }
0x3b: {  	v1 =	vmul.f32 $1.442695020e+00, v1;
	(erf) = vpow2.f32 v0  }
0x3c: {  	v4 =	vmul.f32 $1.442695020e+00, v4;
	v10 =	vld [tilespmem:s29+$0x10];
	(erf) = vpow2.f32 v6  }
0x3d: {  	v8 =	vmul.f32 $1.442695020e+00, v11;
	v0 =	vld [tilespmem:s29+$0x60];
	v11 =	vmul.f32 $-4.000000000e+02, v13  }
0x3e: {  	v13 =	vld [tilespmem:s29+$0xFFFFFF90];
	v6 =	vmul.f32 $-4.000000000e+02, v14;
	(erf) = vpow2.f32 v3  }
0x3f: {  	v14 =	vld [tilespmem:s29+$0x20];
	v11 =	vmul.f32 $1.442695020e+00, v11;
	(erf) = vpow2.f32 v9;
	v9 =	vpop (erf)  }
0x40: {  	v3 =	vld [tilespmem:s29+$0x30];
	v6 =	vmul.f32 $1.442695020e+00, v6;
	(erf) = vpow2.f32 v4;
	v4 =	vpop (erf)  }
0x41: {  	v16 =	vld [tilespmem:s29+$0xFFFFFFB0];
	v15 =	vmul.f32 $-4.000000000e+02, v10;
	(erf) = vpow2.f32 v12;
	v12 =	vpop (erf)  }
0x42: {  	v10 =	vmul.f32 $-4.000000000e+02, v0;
	(erf) = vpow2.f32 v2;
	v17 =	vpop (erf)  }
0x43: {  	v0 =	vmul.f32 $-4.000000000e+02, v13;
	(erf) = vpow2.f32 v7;
	v7 =	vpop (erf)  }
0x44: {  	v2 =	vmul.f32 $-4.000000000e+02, v14;
	v13 =	vld [tilespmem:s29+$0x50];
	(erf) = vpow2.f32 v8;
	v14 =	vpop (erf)  }
0x45: {  	v4 =	vadd.f32 $1.000000000e+00, v4;
	v3 =	vmul.f32 $-4.000000000e+02, v3;
	(erf) = vpow2.f32 v5;
	v18 =	vpop (erf)  }
0x46: {  	v8 =	vld [tilespmem:s29+$0xFFFFFFD0];
	(erf) = vpow2.f32 v1;
	v1 =	vmul.f32 $-4.000000000e+02, v16;
	v16 =	vadd.f32 $1.000000000e+00, v18  }
0x47: {  	v19 =	vld [tilespmem:s29+$0xFFFFFFA0];
	v9 =	vadd.f32 $1.000000000e+00, v9;
	v10 =	vmul.f32 $1.442695020e+00, v10;
	v2 =	vmul.f32 $1.442695020e+00, v2  }
0x48: {  	v20 =	vld [tilespmem:s29+$0x70];
	v3 =	vmul.f32 $1.442695020e+00, v3;
	(erf) = vrcp.f32 v4;
	v18 =	vpop (erf)  }
0x49: {  	v5 =	vld [tilespmem:s29+$0xFFFFFFF0];
	v60 =	vadd.f32 $1.000000000e+00, v14;
	v13 =	vmul.f32 $-4.000000000e+02, v13;
	v21 =	vpop (erf);
	(erf) = vrcp.f32 v9  }
0x4a: {  	v4 =	vmul.f32 $1.442695020e+00, v1;
	(erf) = vrcp.f32 v16;
	v21 =	vadd.f32 $1.000000000e+00, v21;
	v16 =	vpop (erf)  }
0x4b: {  	v25 =	vmul.f32 $-4.000000000e+02, v8;
	(erf) = vpow2.f32 v11;
	v24 =	vpop (erf);
	v8 =	vadd.f32 $1.000000000e+00, v16  }
0x4c: {  	v22 =	vld [tilespmem:s29+$0xFFFFFF80];
	v14 =	vadd.f32 $1.000000000e+00, v7;
	v9 =	vmul.f32 $-4.000000000e+02, v19;
	(erf) = vpow2.f32 v3;
	v3 =	vpop (erf)  }
0x4d: {  	v1 =	vadd.f32 $1.000000000e+00, v12;
	v23 =	vmul.f32 $1.442695020e+00, v13;
	v19 =	vpop (erf);
	(erf) = vrcp.f32 v21  }
0x4e: {  	v13 =	vmul.f32 $-4.000000000e+02, v5;
	v5 =	vmul.f32 $-4.000000000e+02, v20;
	v20 =	vld [tilespmem:s29+$0x40];
	v3 =	vadd.f32 $1.000000000e+00, v3;
	v12 =	vpop (erf)  }
0x4f: {  	v7 =	vmul.f32 $1.442695020e+00, v15;
	v11 =	vld [tilespmem:s29+$0x0];
	v16 =	vadd.f32 $1.000000000e+00, v18;
	(erf) = vrcp.f32 v8;
	v8 =	vpop (erf)  }
0x50: {  	[tilespmem:s28+$0xFFFFFFE0] =	vst v17;
	v17 =	vmul.f32 $1.442695020e+00, v25;
	(erf) = vrcp.f32 v3;
	v61 =	vpop (erf)  }
0x51: {  	v18 =	vmul.f32 $-4.000000000e+02, v22;
	v26 =	vadd.f32 $1.000000000e+00, v12;
	(erf) = vrcp.f32 v16;
	v12 =	vpop (erf)  }
0x52: {  	v5 =	vmul.f32 $1.442695020e+00, v5;
	(erf) = vpow2.f32 v6;
	v3 =	vpop (erf)  }
0x53: {  	v20 =	vmul.f32 $-4.000000000e+02, v20;
	v15 =	vadd.f32 $1.000000000e+00, v8;
	(erf) = vpow2.f32 v23;
	v62 =	vpop (erf)  }
0x54: {  	v11 =	vmul.f32 $-4.000000000e+02, v11;
	(erf) = vrcp.f32 v14;
	v63 =	vpop (erf)  }
0x55: {  	v16 =	vadd.f32 $1.000000000e+00, v24;
	v8 =	vmul.f32 $1.442695020e+00, v18;
	(erf) = vrcp.f32 v15;
	v6 =	vpop (erf)  }
0x56: {  	v14 =	vadd.f32 $1.000000000e+00, v19;
	[tilespmem:s28+$0x20] =	vst v62;
	v18 =	vadd.f32 $1.000000000e+00, v63;
	(erf) = vrcp.f32 v26;
	v19 =	vpop (erf)  }
0x57: {  	s30 =	simm.s32 $0x2;
	s31 =	simm.s32 $0x480;
	v15 =	vmul.f32 $1.442695020e+00, v20;
	(erf) = vrcp.f32 v60;
	[tilespmem:s28+$0xFFFFFFD0] =	vst v19;
	v19 =	vadd.f32 $1.000000000e+00, v61  }
.LBB2_2:
0x58: {  	v20 =	vld [tilespmem:s31+$0xFFFFFFE0];
	s30 =	sadd.s32 $0x2, s30;
	v9 =	vmul.f32 $1.442695020e+00, v9;
	(erf) = vrcp.f32 v18;
	v18 =	vpop (erf)  }
0x59: {  	v13 =	vmul.f32 $1.442695020e+00, v13;
	v21 =	vld [tilespmem:s31+$0xFFFFFFC0];
	p0 =	slt.u32 s30, $0x7E;
	[tilespmem:s28+$0xFFFFFFC0] =	vst v12;
	(erf) = vrcp.f32 v19;
	v12 =	vpop (erf)  }
0x5a: {  	v22 =	vmul.f32 $1.442695020e+00, v0;
	v19 =	vld [tilespmem:s31+$0xFFFFFFD0];
	[tilespmem:s28+$0x10] =	vst v12;
	(erf) = vrcp.f32 v1;
	v0 =	vpop (erf)  }
0x5b: {  	v12 =	vld [tilespmem:s31+$0x10];
	v23 =	vpop (erf);
	(erf) = vpow2.f32 v13;
	[tilespmem:s28+$0x60] =	vst v0  }
0x5c: {  	v0 =	vld [tilespmem:s31+$0x60];
	(erf) = vpow2.f32 v4;
	v1 =	vpop (erf);
	[tilespmem:s28+$0x40] =	vst v18  }
0x5d: {  	v4 =	vmul.f32 $-4.000000000e+02, v20;
	v13 =	vld [tilespmem:s31+$0x30];
	v1 =	vadd.f32 $1.000000000e+00, v1;
	v18 =	vpop (erf);
	(erf) = vrcp.f32 v16  }
0x5e: {  	v11 =	vmul.f32 $1.442695020e+00, v11;
	v16 =	vld [tilespmem:s31+$0xFFFFFF90];
	(erf) = vpow2.f32 v2;
	v2 =	vpop (erf)  }
0x5f: {  	v20 =	vmul.f32 $-4.000000000e+02, v21;
	v21 =	vld [tilespmem:s31+$0x20];
	[tilespmem:s28+$0xFFFFFFF0] =	vst v18;
	(erf) = vrcp.f32 v14;
	v14 =	vpop (erf)  }
0x60: {  	v18 =	vmul.f32 $1.442695020e+00, v4;
	v24 =	vld [tilespmem:s31+$0xFFFFFFF0];
	(erf) = vpow2.f32 v10;
	[tilespmem:s28+$0xFFFFFF90] =	vst v2;
	v2 =	vpop (erf)  }
0x61: {  	v20 =	vmul.f32 $1.442695020e+00, v20;
	v25 =	vld [tilespmem:s31+$0x0];
	(erf) = vpow2.f32 v17;
	v4 =	vpop (erf);
	[tilespmem:s28+$0xFFFFFFB0] =	vst v2  }
0x62: {  	v10 =	vadd.f32 $1.000000000e+00, v23;
	v17 =	vmul.f32 $-4.000000000e+02, v12;
	(erf) = vpow2.f32 v15;
	[tilespmem:s28+$0x30] =	vst v3;
	v2 =	vpop (erf)  }
0x63: {  	v12 =	vmul.f32 $-4.000000000e+02, v0;
	v3 =	vld [tilespmem:s31+$0xFFFFFFB0];
	(erf) = vpow2.f32 v5;
	[tilespmem:s28+$0x0] =	vst v2;
	v2 =	vpop (erf)  }
0x64: {  	v0 =	vmul.f32 $-4.000000000e+02, v16;
	v5 =	vld [tilespmem:s31+$0xFFFFFFA0];
	v15 =	vpop (erf);
	(erf) = vpow2.f32 v7;
	[tilespmem:s28+$0xFFFFFFA0] =	vst v14  }
0x65: {  	v16 =	vmul.f32 $-4.000000000e+02, v21;
	v14 =	vld [tilespmem:s31+$0x50];
	(erf) = vpow2.f32 v8;
	v8 =	vpop (erf);
	[tilespmem:s28+$0x50] =	vst v2  }
0x66: {  	v13 =	vmul.f32 $-4.000000000e+02, v13;
	[tilespmem:s29+$0xFFFFFFE0] =	vst v4;
	(erf) = vpow2.f32 v9;
	v4 =	vpop (erf)  }
0x67: {  	v2 =	vmul.f32 $1.442695020e+00, v16;
	(erf) = vpow2.f32 v22;
	v7 =	vpop (erf);
	[tilespmem:s28+$0x70] =	vst v4  }
0x68: {  	v9 =	vmul.f32 $1.442695020e+00, v13;
	v4 =	vadd.f32 $1.000000000e+00, v6;
	(erf) = vpow2.f32 v11;
	v6 =	vpop (erf)  }
0x69: {  	v3 =	vmul.f32 $-4.000000000e+02, v3;
	v13 =	vadd.f32 $1.000000000e+00, v7;
	(erf) = vrcp.f32 v10;
	v10 =	vpop (erf);
	[tilespmem:s28+$0xFFFFFF80] =	vst v6;
	s28 =	smov.u32 s29;
	s29 =	smov.u32 s31  }
0x6a: {  	v21 =	vadd.f32 $1.000000000e+00, v8;
	v6 =	vmul.f32 $-4.000000000e+02, v14;
	v11 =	vld [tilespmem:s31+$0x70];
	v8 =	vpop (erf);
	(erf) = vrcp.f32 v4  }
0x6b: {  	v4 =	vmul.f32 $1.442695020e+00, v3;
	v14 =	vld [tilespmem:s31+$0xFFFFFF80];
	v3 =	vadd.f32 $1.000000000e+00, v8;
	(erf) = vrcp.f32 v13;
	v7 =	vpop (erf)  }
0x6c: {  	v8 =	vadd.f32 $1.000000000e+00, v10;
	v6 =	vmul.f32 $1.442695020e+00, v6;
	(erf) = vpow2.f32 v18;
	v16 =	vpop (erf)  }
0x6d: {  	v19 =	vmul.f32 $-4.000000000e+02, v19;
	(erf) = vpow2.f32 v9;
	v10 =	vpop (erf)  }
0x6e: {  	v9 =	vmul.f32 $-4.000000000e+02, v5;
	v5 =	vadd.f32 $1.000000000e+00, v7;
	v18 =	vpop (erf);
	(erf) = vrcp.f32 v3  }
0x6f: {  	v13 =	vmul.f32 $-4.000000000e+02, v24;
	v7 =	vadd.f32 $1.000000000e+00, v10;
	v3 =	vmul.f32 $-4.000000000e+02, v11;
	v10 =	vpop (erf)  }
0x70: {  	v22 =	vmul.f32 $-4.000000000e+02, v14;
	v23 =	vld [tilespmem:s31+$0x40];
	v24 =	vadd.f32 $1.000000000e+00, v10;
	v26 =	vpop (erf);
	(erf) = vrcp.f32 v5  }
0x71: {  	v15 =	vadd.f32 $1.000000000e+00, v15;
	v5 =	vmul.f32 $1.442695020e+00, v3;
	v27 =	vpop (erf);
	(erf) = vrcp.f32 v7  }
0x72: {  	v16 =	vadd.f32 $1.000000000e+00, v16;
	v10 =	vmul.f32 $1.442695020e+00, v12;
	v12 =	vpop (erf);
	(erf) = vrcp.f32 v8  }
0x73: {  	v14 =	vadd.f32 $1.000000000e+00, v18;
	v7 =	vmul.f32 $1.442695020e+00, v17;
	(erf) = vpow2.f32 v20;
	v3 =	vpop (erf)  }
.Ltmp0:
0x74: {  	v11 =	vmul.f32 $-4.000000000e+02, v25;
	v17 =	vadd.f32 $1.000000000e+00, v26;
	(erf) = vpow2.f32 v6;
	v6 =	vpop (erf);
	(pc) =	sbr.rel @p0 .LBB2_2-.Ltmp0, $4  }
0x75: {  	v23 =	vmul.f32 $-4.000000000e+02, v23;
	v18 =	vpop (erf);
	[tilespmem:s28+$0x20] =	vst v6;
	(erf) = vrcp.f32 v15  }
0x76: {  	v8 =	vmul.f32 $1.442695020e+00, v22;
	v18 =	vadd.f32 $1.000000000e+00, v18;
	v6 =	vpop (erf);
	(erf) = vrcp.f32 v17  }
0x77: {  	v15 =	vmul.f32 $1.442695020e+00, v23;
	(erf) = vrcp.f32 v24;
	v20 =	vpop (erf)  }
0x78: {  	s31 =	sadd.s32 $0x100, s31;
	v17 =	vmul.f32 $1.442695020e+00, v19;
	v19 =	vadd.f32 $1.000000000e+00, v27;
	[tilespmem:s28+$0xFFFFFFD0] =	vst v20;
	(erf) = vrcp.f32 v21  }
0x79: {  	(erf) = vrcp.f32 v18;
	v18 =	vpop (erf)  }
0x7a: {  	v13 =	vmul.f32 $1.442695020e+00, v13;
	(erf) = vrcp.f32 v19;
	v19 =	vpop (erf)  }
0x7b: {  	(erf) = vrcp.f32 v1;
	v1 =	vpop (erf)  }
0x7c: {  	v20 =	vpop (erf);
	(erf) = vpow2.f32 v13  }
0x7d: {  	(erf) = vpow2.f32 v4;
	v4 =	vpop (erf)  }
0x7e: {  	v13 =	vpop (erf);
	(erf) = vrcp.f32 v16  }
0x7f: {  	(erf) = vpow2.f32 v2;
	v2 =	vpop (erf)  }
0x80: {  	(erf) = vrcp.f32 v14;
	v14 =	vpop (erf)  }
0x81: {  	(erf) = vpow2.f32 v10;
	v10 =	vpop (erf)  }
0x82: {  	(erf) = vpow2.f32 v17;
	v16 =	vpop (erf)  }
0x83: {  	(erf) = vpow2.f32 v15;
	v15 =	vpop (erf)  }
0x84: {  	v0 =	vmul.f32 $1.442695020e+00, v0;
	(erf) = vpow2.f32 v5;
	v5 =	vpop (erf)  }
0x85: {  	v9 =	vmul.f32 $1.442695020e+00, v9;
	v17 =	vpop (erf);
	(erf) = vpow2.f32 v7  }
0x86: {  	(erf) = vpow2.f32 v8;
	v7 =	vpop (erf)  }
0x87: {  	(erf) = vpow2.f32 v9;
	v8 =	vpop (erf);
	v9 =	vmul.f32 $1.442695020e+00, v11  }
0x88: {  	(erf) = vpow2.f32 v0;
	v0 =	vpop (erf)  }
0x89: {  	v11 =	vpop (erf)  }
0x8a: {  	[tilespmem:s28+$0xFFFFFFC0] =	vst v12;
	v12 =	vadd.f32 $1.000000000e+00, v20;
	v0 =	vadd.f32 $1.000000000e+00, v0;
	v20 =	vpop (erf)  }
0x8b: {  	v6 =	vadd.f32 $1.000000000e+00, v6;
	(erf) = vpow2.f32 v9;
	v9 =	vpop (erf)  }
0x8c: {  	[tilespmem:s28+$0x60] =	vst v1;
	(erf) = vrcp.f32 v12;
	v1 =	vpop (erf)  }
0x8d: {  	[tilespmem:s28+$0x30] =	vst v3;
	(erf) = vrcp.f32 v6;
	v6 =	vadd.f32 $1.000000000e+00, v9;
	v9 =	vpop (erf);
	v1 =	vadd.f32 $1.000000000e+00, v1  }
0x8e: {  	[tilespmem:s28+$0x40] =	vst v18;
	(erf) = vrcp.f32 v0;
	v0 =	vpop (erf)  }
0x8f: {  	[tilespmem:s28+$0xFFFFFF90] =	vst v2;
	v2 =	vpop (erf)  }
0x90: {  	[tilespmem:s28+$0xFFFFFFB0] =	vst v10;
	(erf) = vrcp.f32 v6;
	v0 =	vadd.f32 $1.000000000e+00, v0;
	v10 =	vpop (erf)  }
0x91: {  	[tilespmem:s28+$0x10] =	vst v19;
	v6 =	vadd.f32 $1.000000000e+00, v20;
	(erf) = vrcp.f32 v1;
	v1 =	vpop (erf)  }
0x92: {  	[tilespmem:s28+$0xFFFFFFF0] =	vst v13;
	v3 =	vadd.f32 $1.000000000e+00, v17;
	(erf) = vrcp.f32 v0;
	v0 =	vadd.f32 $1.000000000e+00, v1  }
0x93: {  	[tilespmem:s28+$0xFFFFFFA0] =	vst v14;
	(erf) = vrcp.f32 v6;
	v1 =	vadd.f32 $1.000000000e+00, v10  }
0x94: {  	[tilespmem:s29+$0xFFFFFFE0] =	vst v16;
	(erf) = vrcp.f32 v3;
	v3 =	vadd.f32 $1.000000000e+00, v7  }
0x95: {  	[tilespmem:s28+$0x50] =	vst v5;
	v5 =	vpop (erf)  }
0x96: {  	[tilespmem:s28+$0x0] =	vst v15;
	(erf) = vrcp.f32 v0;
	v0 =	vpop (erf)  }
0x97: {  	[tilespmem:s28+$0x70] =	vst v8;
	(erf) = vrcp.f32 v1;
	v1 =	vpop (erf)  }
0x98: {  	[tilespmem:s28+$0xFFFFFF80] =	vst v11;
	v5 =	vadd.f32 $1.000000000e+00, v5;
	(erf) = vrcp.f32 v3;
	v3 =	vpop (erf)  }
0x99: {  	v4 =	vadd.f32 $1.000000000e+00, v4;
	[tilespmem:s29+$0x20] =	vst v3;
	v3 =	vpop (erf)  }
0x9a: {  	(erf) = vrcp.f32 v5;
	v5 =	vadd.f32 $1.000000000e+00, v9;
	[tilespmem:s29+$0xFFFFFFD0] =	vst v3;
	v3 =	vpop (erf)  }
0x9b: {  	v2 =	vadd.f32 $1.000000000e+00, v2;
	[tilespmem:s29+$0xFFFFFFC0] =	vst v0;
	(erf) = vrcp.f32 v4;
	v0 =	vpop (erf)  }
0x9c: {  	(erf) = vrcp.f32 v5;
	[tilespmem:s29+$0x10] =	vst v0;
	v0 =	vpop (erf)  }
0x9d: {  	[tilespmem:s29+$0x60] =	vst v0;
	v0 =	vpop (erf);
	(erf) = vrcp.f32 v2  }
0x9e: {  	[tilespmem:s29+$0x30] =	vst v1  }
0x9f: {  	[tilespmem:s29+$0x40] =	vst v3  }
0xa0: {  	v2 =	vpop (erf);
	[tilespmem:s29+$0xFFFFFFF0] =	vst v0  }
0xa1: {  	v0 =	vpop (erf);
	[tilespmem:s29+$0xFFFFFF90] =	vst v2  }
0xa2: {  	v2 =	vpop (erf);
	[tilespmem:s29+$0xFFFFFFA0] =	vst v0  }
0xa3: {  	[tilespmem:s29+$0xFFFFFFB0] =	vst v2;
	v1 =	vpop (erf)  }
0xa4: {  	[tilespmem:s29+$0x0] =	vst v1;
	v1 =	vpop (erf)  }
0xa5: {  	[tilespmem:s29+$0x50] =	vst v1;
	v0 =	vpop (erf)  }
0xa6: {  	[tilespmem:s29+$0x70] =	vst v0;
	v0 =	vpop (erf)  }
0xa7: {  	[tilespmem:s29+$0xFFFFFF80] =	vst v0  }
0xa8: {  	[hbm4b:s5+s3] =	stream.linear.scatter [tilespmem:s12], [sflag:$0x5], $0x4000, $0x38;
	[tilespmem:$0x10200] =	vst v63  }
0xa9: {  	_ =	swait.ge [sflag:s19], $0x4000  }
0xaa: {  	[sflag:s19] =	ssyncset.done $0x0  }
0xab: {  	s28 =	simm.s32 $0x4200;
	[sflag:s19] =	ssyncadd.s32 $0xFFFFC000  }
0xac: {  	v0 =	vld [tilespmem:s28+$0x60]  }
0xad: {  	v1 =	vld [tilespmem:s28+$0x40]  }
0xae: {  	v2 =	vld [tilespmem:s28+$0x90]  }
0xaf: {  	v3 =	vld [tilespmem:s28+$0xE0]  }
0xb0: {  	v4 =	vld [tilespmem:s28+$0xB0]  }
0xb1: {  	v5 =	vld [tilespmem:s28+$0x10]  }
0xb2: {  	v6 =	vld [tilespmem:s28+$0xA0]  }
0xb3: {  	v7 =	vld [tilespmem:s28+$0x30]  }
0xb4: {  	v9 =	vld [tilespmem:s28+$0x50]  }
0xb5: {  	v10 =	vld [tilespmem:s28+$0x70]  }
0xb6: {  	v11 =	vld [tilespmem:s28+$0x20];
	v0 =	vmul.f32 $-4.000000000e+02, v0  }
0xb7: {  	v12 =	vld [tilespmem:s28+$0xF0];
	v1 =	vmul.f32 $-4.000000000e+02, v1;
	v2 =	vmul.f32 $-4.000000000e+02, v2  }
0xb8: {  	v8 =	vld [tilespmem:s28+$0xD0];
	v3 =	vmul.f32 $-4.000000000e+02, v3;
	v0 =	vmul.f32 $1.442695020e+00, v0  }
0xb9: {  	v5 =	vmul.f32 $-4.000000000e+02, v5;
	v6 =	vmul.f32 $-4.000000000e+02, v6  }
0xba: {  	v4 =	vmul.f32 $-4.000000000e+02, v4;
	(erf) = vpow2.f32 v0  }
0xbb: {  	v9 =	vmul.f32 $-4.000000000e+02, v9;
	v11 =	vmul.f32 $-4.000000000e+02, v11  }
0xbc: {  	v12 =	vmul.f32 $-4.000000000e+02, v12;
	v10 =	vmul.f32 $-4.000000000e+02, v10  }
0xbd: {  	v0 =	vmul.f32 $-4.000000000e+02, v7;
	v7 =	vmul.f32 $-4.000000000e+02, v8;
	v8 =	vld [tilespmem:s28+$0x0]  }
0xbe: {  	v13 =	vld [tilespmem:s28+$0x80];
	v1 =	vmul.f32 $1.442695020e+00, v1;
	v6 =	vmul.f32 $1.442695020e+00, v6  }
0xbf: {  	v4 =	vmul.f32 $1.442695020e+00, v4;
	v12 =	vmul.f32 $1.442695020e+00, v12  }
0xc0: {  	v3 =	vmul.f32 $1.442695020e+00, v3;
	v2 =	vmul.f32 $1.442695020e+00, v2  }
0xc1: {  	v10 =	vmul.f32 $1.442695020e+00, v10;
	(erf) = vpow2.f32 v4  }
0xc2: {  	v4 =	vld [tilespmem:s28+$0xC0];
	v7 =	vmul.f32 $1.442695020e+00, v7;
	v8 =	vmul.f32 $-4.000000000e+02, v8  }
0xc3: {  	(erf) = vpow2.f32 v1;
	v1 =	vmul.f32 $-4.000000000e+02, v13;
	v13 =	vpop (erf)  }
0xc4: {  	s29 =	simm.s32 $0x4300;
	(erf) = vpow2.f32 v7;
	v7 =	vmul.f32 $1.442695020e+00, v8;
	v8 =	vadd.f32 $1.000000000e+00, v13  }
0xc5: {  	v9 =	vmul.f32 $1.442695020e+00, v9;
	v5 =	vmul.f32 $1.442695020e+00, v5;
	v13 =	vld [tilespmem:s29+$0x60]  }
0xc6: {  	v14 =	vld [tilespmem:s29+$0x40];
	v0 =	vmul.f32 $1.442695020e+00, v0;
	(erf) = vrcp.f32 v8  }
0xc7: {  	v4 =	vmul.f32 $-4.000000000e+02, v4;
	(erf) = vpow2.f32 v10  }
0xc8: {  	v1 =	vmul.f32 $1.442695020e+00, v1;
	(erf) = vpow2.f32 v0  }
0xc9: {  	v4 =	vmul.f32 $1.442695020e+00, v4;
	v10 =	vld [tilespmem:s29+$0x90];
	(erf) = vpow2.f32 v6  }
0xca: {  	v8 =	vmul.f32 $1.442695020e+00, v11;
	v0 =	vld [tilespmem:s29+$0xE0];
	v11 =	vmul.f32 $-4.000000000e+02, v13  }
0xcb: {  	v13 =	vld [tilespmem:s29+$0x10];
	v6 =	vmul.f32 $-4.000000000e+02, v14;
	(erf) = vpow2.f32 v3  }
0xcc: {  	v14 =	vld [tilespmem:s29+$0xA0];
	v11 =	vmul.f32 $1.442695020e+00, v11;
	(erf) = vpow2.f32 v9;
	v9 =	vpop (erf)  }
0xcd: {  	v3 =	vld [tilespmem:s29+$0xB0];
	v6 =	vmul.f32 $1.442695020e+00, v6;
	(erf) = vpow2.f32 v4;
	v4 =	vpop (erf)  }
0xce: {  	v16 =	vld [tilespmem:s29+$0x30];
	v15 =	vmul.f32 $-4.000000000e+02, v10;
	(erf) = vpow2.f32 v12;
	v12 =	vpop (erf)  }
0xcf: {  	v10 =	vmul.f32 $-4.000000000e+02, v0;
	(erf) = vpow2.f32 v2;
	v17 =	vpop (erf)  }
0xd0: {  	v0 =	vmul.f32 $-4.000000000e+02, v13;
	(erf) = vpow2.f32 v7;
	v7 =	vpop (erf)  }
0xd1: {  	v2 =	vmul.f32 $-4.000000000e+02, v14;
	v13 =	vld [tilespmem:s29+$0xD0];
	(erf) = vpow2.f32 v8;
	v14 =	vpop (erf)  }
0xd2: {  	v4 =	vadd.f32 $1.000000000e+00, v4;
	v3 =	vmul.f32 $-4.000000000e+02, v3;
	(erf) = vpow2.f32 v5;
	v18 =	vpop (erf)  }
0xd3: {  	v8 =	vld [tilespmem:s29+$0x50];
	(erf) = vpow2.f32 v1;
	v1 =	vmul.f32 $-4.000000000e+02, v16;
	v16 =	vadd.f32 $1.000000000e+00, v18  }
0xd4: {  	v19 =	vld [tilespmem:s29+$0x20];
	v9 =	vadd.f32 $1.000000000e+00, v9;
	v10 =	vmul.f32 $1.442695020e+00, v10;
	v2 =	vmul.f32 $1.442695020e+00, v2  }
0xd5: {  	v20 =	vld [tilespmem:s29+$0xF0];
	v3 =	vmul.f32 $1.442695020e+00, v3;
	(erf) = vrcp.f32 v4;
	v18 =	vpop (erf)  }
0xd6: {  	v5 =	vld [tilespmem:s29+$0x70];
	v60 =	vadd.f32 $1.000000000e+00, v14;
	v13 =	vmul.f32 $-4.000000000e+02, v13;
	v21 =	vpop (erf);
	(erf) = vrcp.f32 v9  }
0xd7: {  	v4 =	vmul.f32 $1.442695020e+00, v1;
	(erf) = vrcp.f32 v16;
	v21 =	vadd.f32 $1.000000000e+00, v21;
	v16 =	vpop (erf)  }
0xd8: {  	v25 =	vmul.f32 $-4.000000000e+02, v8;
	(erf) = vpow2.f32 v11;
	v24 =	vpop (erf);
	v8 =	vadd.f32 $1.000000000e+00, v16  }
0xd9: {  	v22 =	vld [tilespmem:s29+$0x0];
	v14 =	vadd.f32 $1.000000000e+00, v7;
	v9 =	vmul.f32 $-4.000000000e+02, v19;
	(erf) = vpow2.f32 v3;
	v3 =	vpop (erf)  }
0xda: {  	v1 =	vadd.f32 $1.000000000e+00, v12;
	v23 =	vmul.f32 $1.442695020e+00, v13;
	v19 =	vpop (erf);
	(erf) = vrcp.f32 v21  }
0xdb: {  	v13 =	vmul.f32 $-4.000000000e+02, v5;
	v5 =	vmul.f32 $-4.000000000e+02, v20;
	v20 =	vld [tilespmem:s29+$0xC0];
	v3 =	vadd.f32 $1.000000000e+00, v3;
	v12 =	vpop (erf)  }
0xdc: {  	v7 =	vmul.f32 $1.442695020e+00, v15;
	v11 =	vld [tilespmem:s29+$0x80];
	v16 =	vadd.f32 $1.000000000e+00, v18;
	(erf) = vrcp.f32 v8;
	v8 =	vpop (erf)  }
0xdd: {  	[tilespmem:s28+$0x60] =	vst v17;
	v17 =	vmul.f32 $1.442695020e+00, v25;
	(erf) = vrcp.f32 v3;
	v61 =	vpop (erf)  }
0xde: {  	v18 =	vmul.f32 $-4.000000000e+02, v22;
	v26 =	vadd.f32 $1.000000000e+00, v12;
	(erf) = vrcp.f32 v16;
	v12 =	vpop (erf)  }
0xdf: {  	v5 =	vmul.f32 $1.442695020e+00, v5;
	(erf) = vpow2.f32 v6;
	v3 =	vpop (erf)  }
0xe0: {  	v20 =	vmul.f32 $-4.000000000e+02, v20;
	v15 =	vadd.f32 $1.000000000e+00, v8;
	(erf) = vpow2.f32 v23;
	v62 =	vpop (erf)  }
0xe1: {  	v11 =	vmul.f32 $-4.000000000e+02, v11;
	(erf) = vrcp.f32 v14;
	v63 =	vpop (erf)  }
0xe2: {  	v16 =	vadd.f32 $1.000000000e+00, v24;
	v8 =	vmul.f32 $1.442695020e+00, v18;
	(erf) = vrcp.f32 v15;
	v6 =	vpop (erf)  }
0xe3: {  	v14 =	vadd.f32 $1.000000000e+00, v19;
	[tilespmem:s28+$0xA0] =	vst v62;
	v18 =	vadd.f32 $1.000000000e+00, v63;
	(erf) = vrcp.f32 v26;
	v19 =	vpop (erf)  }
0xe4: {  	s30 =	simm.s32 $0x82;
	s31 =	simm.s32 $0x4400;
	v15 =	vmul.f32 $1.442695020e+00, v20;
	(erf) = vrcp.f32 v60;
	[tilespmem:s28+$0x50] =	vst v19;
	v19 =	vadd.f32 $1.000000000e+00, v61  }
.LBB2_4:
0xe5: {  	v20 =	vld [tilespmem:s31+$0x60];
	s30 =	sadd.s32 $0x2, s30;
	v9 =	vmul.f32 $1.442695020e+00, v9;
	(erf) = vrcp.f32 v18;
	v18 =	vpop (erf)  }
0xe6: {  	v13 =	vmul.f32 $1.442695020e+00, v13;
	v21 =	vld [tilespmem:s31+$0x40];
	p0 =	slt.u32 s30, $0xFE;
	[tilespmem:s28+$0x40] =	vst v12;
	(erf) = vrcp.f32 v19;
	v12 =	vpop (erf)  }
0xe7: {  	v22 =	vmul.f32 $1.442695020e+00, v0;
	v19 =	vld [tilespmem:s31+$0x50];
	[tilespmem:s28+$0x90] =	vst v12;
	(erf) = vrcp.f32 v1;
	v0 =	vpop (erf)  }
0xe8: {  	v12 =	vld [tilespmem:s31+$0x90];
	v23 =	vpop (erf);
	(erf) = vpow2.f32 v13;
	[tilespmem:s28+$0xE0] =	vst v0  }
0xe9: {  	v0 =	vld [tilespmem:s31+$0xE0];
	(erf) = vpow2.f32 v4;
	v1 =	vpop (erf);
	[tilespmem:s28+$0xC0] =	vst v18  }
0xea: {  	v4 =	vmul.f32 $-4.000000000e+02, v20;
	v13 =	vld [tilespmem:s31+$0xB0];
	v1 =	vadd.f32 $1.000000000e+00, v1;
	v18 =	vpop (erf);
	(erf) = vrcp.f32 v16  }
0xeb: {  	v11 =	vmul.f32 $1.442695020e+00, v11;
	v16 =	vld [tilespmem:s31+$0x10];
	(erf) = vpow2.f32 v2;
	v2 =	vpop (erf)  }
0xec: {  	v20 =	vmul.f32 $-4.000000000e+02, v21;
	v21 =	vld [tilespmem:s31+$0xA0];
	[tilespmem:s28+$0x70] =	vst v18;
	(erf) = vrcp.f32 v14;
	v14 =	vpop (erf)  }
0xed: {  	v18 =	vmul.f32 $1.442695020e+00, v4;
	v24 =	vld [tilespmem:s31+$0x70];
	(erf) = vpow2.f32 v10;
	[tilespmem:s28+$0x10] =	vst v2;
	v2 =	vpop (erf)  }
0xee: {  	v20 =	vmul.f32 $1.442695020e+00, v20;
	v25 =	vld [tilespmem:s31+$0x80];
	(erf) = vpow2.f32 v17;
	v4 =	vpop (erf);
	[tilespmem:s28+$0x30] =	vst v2  }
0xef: {  	v10 =	vadd.f32 $1.000000000e+00, v23;
	v17 =	vmul.f32 $-4.000000000e+02, v12;
	(erf) = vpow2.f32 v15;
	[tilespmem:s28+$0xB0] =	vst v3;
	v2 =	vpop (erf)  }
0xf0: {  	v12 =	vmul.f32 $-4.000000000e+02, v0;
	v3 =	vld [tilespmem:s31+$0x30];
	(erf) = vpow2.f32 v5;
	[tilespmem:s28+$0x80] =	vst v2;
	v2 =	vpop (erf)  }
0xf1: {  	v0 =	vmul.f32 $-4.000000000e+02, v16;
	v5 =	vld [tilespmem:s31+$0x20];
	v15 =	vpop (erf);
	(erf) = vpow2.f32 v7;
	[tilespmem:s28+$0x20] =	vst v14  }
0xf2: {  	v16 =	vmul.f32 $-4.000000000e+02, v21;
	v14 =	vld [tilespmem:s31+$0xD0];
	(erf) = vpow2.f32 v8;
	v8 =	vpop (erf);
	[tilespmem:s28+$0xD0] =	vst v2  }
0xf3: {  	v13 =	vmul.f32 $-4.000000000e+02, v13;
	[tilespmem:s29+$0x60] =	vst v4;
	(erf) = vpow2.f32 v9;
	v4 =	vpop (erf)  }
0xf4: {  	v2 =	vmul.f32 $1.442695020e+00, v16;
	(erf) = vpow2.f32 v22;
	v7 =	vpop (erf);
	[tilespmem:s28+$0xF0] =	vst v4  }
0xf5: {  	v9 =	vmul.f32 $1.442695020e+00, v13;
	v4 =	vadd.f32 $1.000000000e+00, v6;
	(erf) = vpow2.f32 v11;
	v6 =	vpop (erf)  }
0xf6: {  	v3 =	vmul.f32 $-4.000000000e+02, v3;
	v13 =	vadd.f32 $1.000000000e+00, v7;
	(erf) = vrcp.f32 v10;
	v10 =	vpop (erf);
	[tilespmem:s28+$0x0] =	vst v6;
	s28 =	smov.u32 s29;
	s29 =	smov.u32 s31  }
0xf7: {  	v21 =	vadd.f32 $1.000000000e+00, v8;
	v6 =	vmul.f32 $-4.000000000e+02, v14;
	v11 =	vld [tilespmem:s31+$0xF0];
	v8 =	vpop (erf);
	(erf) = vrcp.f32 v4  }
0xf8: {  	v4 =	vmul.f32 $1.442695020e+00, v3;
	v14 =	vld [tilespmem:s31+$0x0];
	v3 =	vadd.f32 $1.000000000e+00, v8;
	(erf) = vrcp.f32 v13;
	v7 =	vpop (erf)  }
0xf9: {  	v8 =	vadd.f32 $1.000000000e+00, v10;
	v6 =	vmul.f32 $1.442695020e+00, v6;
	(erf) = vpow2.f32 v18;
	v16 =	vpop (erf)  }
0xfa: {  	v19 =	vmul.f32 $-4.000000000e+02, v19;
	(erf) = vpow2.f32 v9;
	v10 =	vpop (erf)  }
0xfb: {  	v9 =	vmul.f32 $-4.000000000e+02, v5;
	v5 =	vadd.f32 $1.000000000e+00, v7;
	v18 =	vpop (erf);
	(erf) = vrcp.f32 v3  }
0xfc: {  	v13 =	vmul.f32 $-4.000000000e+02, v24;
	v7 =	vadd.f32 $1.000000000e+00, v10;
	v3 =	vmul.f32 $-4.000000000e+02, v11;
	v10 =	vpop (erf)  }
0xfd: {  	v22 =	vmul.f32 $-4.000000000e+02, v14;
	v23 =	vld [tilespmem:s31+$0xC0];
	v24 =	vadd.f32 $1.000000000e+00, v10;
	v26 =	vpop (erf);
	(erf) = vrcp.f32 v5  }
0xfe: {  	v15 =	vadd.f32 $1.000000000e+00, v15;
	v5 =	vmul.f32 $1.442695020e+00, v3;
	v27 =	vpop (erf);
	(erf) = vrcp.f32 v7  }
0xff: {  	v16 =	vadd.f32 $1.000000000e+00, v16;
	v10 =	vmul.f32 $1.442695020e+00, v12;
	v12 =	vpop (erf);
	(erf) = vrcp.f32 v8  }
0x100: {  	v14 =	vadd.f32 $1.000000000e+00, v18;
	v7 =	vmul.f32 $1.442695020e+00, v17;
	(erf) = vpow2.f32 v20;
	v3 =	vpop (erf)  }
.Ltmp1:
0x101: {  	v11 =	vmul.f32 $-4.000000000e+02, v25;
	v17 =	vadd.f32 $1.000000000e+00, v26;
	(erf) = vpow2.f32 v6;
	v6 =	vpop (erf);
	(pc) =	sbr.rel @p0 .LBB2_4-.Ltmp1, $4  }
0x102: {  	v23 =	vmul.f32 $-4.000000000e+02, v23;
	v18 =	vpop (erf);
	[tilespmem:s28+$0xA0] =	vst v6;
	(erf) = vrcp.f32 v15  }
0x103: {  	v8 =	vmul.f32 $1.442695020e+00, v22;
	v18 =	vadd.f32 $1.000000000e+00, v18;
	v6 =	vpop (erf);
	(erf) = vrcp.f32 v17  }
0x104: {  	v15 =	vmul.f32 $1.442695020e+00, v23;
	(erf) = vrcp.f32 v24;
	v20 =	vpop (erf)  }
0x105: {  	s31 =	sadd.s32 $0x100, s31;
	v17 =	vmul.f32 $1.442695020e+00, v19;
	v19 =	vadd.f32 $1.000000000e+00, v27;
	[tilespmem:s28+$0x50] =	vst v20;
	(erf) = vrcp.f32 v21  }
0x106: {  	(erf) = vrcp.f32 v18;
	v18 =	vpop (erf)  }
0x107: {  	v13 =	vmul.f32 $1.442695020e+00, v13;
	(erf) = vrcp.f32 v19;
	v19 =	vpop (erf)  }
0x108: {  	(erf) = vrcp.f32 v1;
	v1 =	vpop (erf)  }
0x109: {  	v20 =	vpop (erf);
	(erf) = vpow2.f32 v13  }
0x10a: {  	(erf) = vpow2.f32 v4;
	v4 =	vpop (erf)  }
0x10b: {  	v13 =	vpop (erf);
	(erf) = vrcp.f32 v16  }
0x10c: {  	(erf) = vpow2.f32 v2;
	v2 =	vpop (erf)  }
0x10d: {  	(erf) = vrcp.f32 v14;
	v14 =	vpop (erf)  }
0x10e: {  	(erf) = vpow2.f32 v10;
	v10 =	vpop (erf)  }
0x10f: {  	(erf) = vpow2.f32 v17;
	v16 =	vpop (erf)  }
0x110: {  	(erf) = vpow2.f32 v15;
	v15 =	vpop (erf)  }
0x111: {  	v0 =	vmul.f32 $1.442695020e+00, v0;
	(erf) = vpow2.f32 v5;
	v5 =	vpop (erf)  }
0x112: {  	v9 =	vmul.f32 $1.442695020e+00, v9;
	v17 =	vpop (erf);
	(erf) = vpow2.f32 v7  }
0x113: {  	(erf) = vpow2.f32 v8;
	v7 =	vpop (erf)  }
0x114: {  	(erf) = vpow2.f32 v9;
	v8 =	vpop (erf);
	v9 =	vmul.f32 $1.442695020e+00, v11  }
0x115: {  	(erf) = vpow2.f32 v0;
	v0 =	vpop (erf)  }
0x116: {  	v11 =	vpop (erf)  }
0x117: {  	[tilespmem:s28+$0x40] =	vst v12;
	v12 =	vadd.f32 $1.000000000e+00, v20;
	v0 =	vadd.f32 $1.000000000e+00, v0;
	v20 =	vpop (erf)  }
0x118: {  	v6 =	vadd.f32 $1.000000000e+00, v6;
	(erf) = vpow2.f32 v9;
	v9 =	vpop (erf)  }
0x119: {  	[tilespmem:s28+$0xE0] =	vst v1;
	(erf) = vrcp.f32 v12;
	v1 =	vpop (erf)  }
0x11a: {  	[tilespmem:s28+$0xB0] =	vst v3;
	(erf) = vrcp.f32 v6;
	v6 =	vadd.f32 $1.000000000e+00, v9;
	v9 =	vpop (erf);
	v1 =	vadd.f32 $1.000000000e+00, v1  }
0x11b: {  	[tilespmem:s28+$0xC0] =	vst v18;
	(erf) = vrcp.f32 v0;
	v0 =	vpop (erf)  }
0x11c: {  	[tilespmem:s28+$0x10] =	vst v2;
	v2 =	vpop (erf)  }
0x11d: {  	[tilespmem:s28+$0x30] =	vst v10;
	(erf) = vrcp.f32 v6;
	v0 =	vadd.f32 $1.000000000e+00, v0;
	v10 =	vpop (erf)  }
0x11e: {  	[tilespmem:s28+$0x90] =	vst v19;
	v6 =	vadd.f32 $1.000000000e+00, v20;
	(erf) = vrcp.f32 v1;
	v1 =	vpop (erf)  }
0x11f: {  	[tilespmem:s28+$0x70] =	vst v13;
	v3 =	vadd.f32 $1.000000000e+00, v17;
	(erf) = vrcp.f32 v0;
	v0 =	vadd.f32 $1.000000000e+00, v1  }
0x120: {  	[tilespmem:s28+$0x20] =	vst v14;
	(erf) = vrcp.f32 v6;
	v1 =	vadd.f32 $1.000000000e+00, v10  }
0x121: {  	[tilespmem:s29+$0x60] =	vst v16;
	(erf) = vrcp.f32 v3;
	v3 =	vadd.f32 $1.000000000e+00, v7  }
0x122: {  	[tilespmem:s28+$0xD0] =	vst v5;
	v5 =	vpop (erf)  }
0x123: {  	[tilespmem:s28+$0x80] =	vst v15;
	(erf) = vrcp.f32 v0;
	v0 =	vpop (erf)  }
0x124: {  	[tilespmem:s28+$0xF0] =	vst v8;
	(erf) = vrcp.f32 v1;
	v1 =	vpop (erf)  }
0x125: {  	[tilespmem:s28+$0x0] =	vst v11;
	v5 =	vadd.f32 $1.000000000e+00, v5;
	(erf) = vrcp.f32 v3;
	v3 =	vpop (erf)  }
0x126: {  	v4 =	vadd.f32 $1.000000000e+00, v4;
	[tilespmem:s29+$0xA0] =	vst v3;
	v3 =	vpop (erf)  }
0x127: {  	(erf) = vrcp.f32 v5;
	v5 =	vadd.f32 $1.000000000e+00, v9;
	[tilespmem:s29+$0x50] =	vst v3;
	v3 =	vpop (erf)  }
0x128: {  	v2 =	vadd.f32 $1.000000000e+00, v2;
	[tilespmem:s29+$0x40] =	vst v0;
	(erf) = vrcp.f32 v4;
	v0 =	vpop (erf)  }
0x129: {  	(erf) = vrcp.f32 v5;
	[tilespmem:s29+$0x90] =	vst v0;
	v0 =	vpop (erf)  }
0x12a: {  	[tilespmem:s29+$0xE0] =	vst v0;
	v0 =	vpop (erf);
	(erf) = vrcp.f32 v2  }
0x12b: {  	[tilespmem:s29+$0xB0] =	vst v1  }
0x12c: {  	[tilespmem:s29+$0xC0] =	vst v3  }
0x12d: {  	v2 =	vpop (erf);
	[tilespmem:s29+$0x70] =	vst v0  }
0x12e: {  	v0 =	vpop (erf);
	[tilespmem:s29+$0x10] =	vst v2  }
0x12f: {  	v2 =	vpop (erf);
	[tilespmem:s29+$0x20] =	vst v0  }
0x130: {  	[tilespmem:s29+$0x30] =	vst v2;
	v1 =	vpop (erf)  }
0x131: {  	[tilespmem:s29+$0x80] =	vst v1;
	v1 =	vpop (erf)  }
0x132: {  	[tilespmem:s29+$0xD0] =	vst v1;
	v0 =	vpop (erf)  }
0x133: {  	[tilespmem:s29+$0xF0] =	vst v0;
	v0 =	vpop (erf)  }
0x134: {  	[tilespmem:s29+$0x0] =	vst v0  }
0x135: {  	[hbm4b:s6+s3] =	stream.linear.scatter [tilespmem:s13], [sflag:$0x6], $0x4000, $0x38;
	[tilespmem:$0x10200] =	vst v63  }
0x136: {  	_ =	swait.ge [sflag:s20], $0x4000  }
0x137: {  	[sflag:s20] =	ssyncset.done $0x0  }
0x138: {  	s28 =	simm.s32 $0x8200;
	[sflag:s20] =	ssyncadd.s32 $0xFFFFC000  }
0x139: {  	v0 =	vld [tilespmem:s28+$0x60]  }
0x13a: {  	v1 =	vld [tilespmem:s28+$0x40]  }
0x13b: {  	v2 =	vld [tilespmem:s28+$0x90]  }
0x13c: {  	v3 =	vld [tilespmem:s28+$0xE0]  }
0x13d: {  	v4 =	vld [tilespmem:s28+$0xB0]  }
0x13e: {  	v5 =	vld [tilespmem:s28+$0x10]  }
0x13f: {  	v6 =	vld [tilespmem:s28+$0xA0]  }
0x140: {  	v7 =	vld [tilespmem:s28+$0x30]  }
0x141: {  	v9 =	vld [tilespmem:s28+$0x50]  }
0x142: {  	v10 =	vld [tilespmem:s28+$0x70]  }
0x143: {  	v11 =	vld [tilespmem:s28+$0x20];
	v0 =	vmul.f32 $-4.000000000e+02, v0  }
0x144: {  	v12 =	vld [tilespmem:s28+$0xF0];
	v1 =	vmul.f32 $-4.000000000e+02, v1;
	v2 =	vmul.f32 $-4.000000000e+02, v2  }
0x145: {  	v8 =	vld [tilespmem:s28+$0xD0];
	v3 =	vmul.f32 $-4.000000000e+02, v3;
	v0 =	vmul.f32 $1.442695020e+00, v0  }
0x146: {  	v5 =	vmul.f32 $-4.000000000e+02, v5;
	v6 =	vmul.f32 $-4.000000000e+02, v6  }
0x147: {  	v4 =	vmul.f32 $-4.000000000e+02, v4;
	(erf) = vpow2.f32 v0  }
0x148: {  	v9 =	vmul.f32 $-4.000000000e+02, v9;
	v11 =	vmul.f32 $-4.000000000e+02, v11  }
0x149: {  	v12 =	vmul.f32 $-4.000000000e+02, v12;
	v10 =	vmul.f32 $-4.000000000e+02, v10  }
0x14a: {  	v0 =	vmul.f32 $-4.000000000e+02, v7;
	v7 =	vmul.f32 $-4.000000000e+02, v8;
	v8 =	vld [tilespmem:s28+$0x0]  }
0x14b: {  	v13 =	vld [tilespmem:s28+$0x80];
	v1 =	vmul.f32 $1.442695020e+00, v1;
	v6 =	vmul.f32 $1.442695020e+00, v6  }
0x14c: {  	v4 =	vmul.f32 $1.442695020e+00, v4;
	v12 =	vmul.f32 $1.442695020e+00, v12  }
0x14d: {  	v3 =	vmul.f32 $1.442695020e+00, v3;
	v2 =	vmul.f32 $1.442695020e+00, v2  }
0x14e: {  	v10 =	vmul.f32 $1.442695020e+00, v10;
	(erf) = vpow2.f32 v4  }
0x14f: {  	v4 =	vld [tilespmem:s28+$0xC0];
	v7 =	vmul.f32 $1.442695020e+00, v7;
	v8 =	vmul.f32 $-4.000000000e+02, v8  }
0x150: {  	(erf) = vpow2.f32 v1;
	v1 =	vmul.f32 $-4.000000000e+02, v13;
	v13 =	vpop (erf)  }
0x151: {  	s29 =	simm.s32 $0x8300;
	(erf) = vpow2.f32 v7;
	v7 =	vmul.f32 $1.442695020e+00, v8;
	v8 =	vadd.f32 $1.000000000e+00, v13  }
0x152: {  	v9 =	vmul.f32 $1.442695020e+00, v9;
	v5 =	vmul.f32 $1.442695020e+00, v5;
	v13 =	vld [tilespmem:s29+$0x60]  }
0x153: {  	v14 =	vld [tilespmem:s29+$0x40];
	v0 =	vmul.f32 $1.442695020e+00, v0;
	(erf) = vrcp.f32 v8  }
0x154: {  	v4 =	vmul.f32 $-4.000000000e+02, v4;
	(erf) = vpow2.f32 v10  }
0x155: {  	v1 =	vmul.f32 $1.442695020e+00, v1;
	(erf) = vpow2.f32 v0  }
0x156: {  	v4 =	vmul.f32 $1.442695020e+00, v4;
	v10 =	vld [tilespmem:s29+$0x90];
	(erf) = vpow2.f32 v6  }
0x157: {  	v8 =	vmul.f32 $1.442695020e+00, v11;
	v0 =	vld [tilespmem:s29+$0xE0];
	v11 =	vmul.f32 $-4.000000000e+02, v13  }
0x158: {  	v13 =	vld [tilespmem:s29+$0x10];
	v6 =	vmul.f32 $-4.000000000e+02, v14;
	(erf) = vpow2.f32 v3  }
0x159: {  	v14 =	vld [tilespmem:s29+$0xA0];
	v11 =	vmul.f32 $1.442695020e+00, v11;
	(erf) = vpow2.f32 v9;
	v9 =	vpop (erf)  }
0x15a: {  	v3 =	vld [tilespmem:s29+$0xB0];
	v6 =	vmul.f32 $1.442695020e+00, v6;
	(erf) = vpow2.f32 v4;
	v4 =	vpop (erf)  }
0x15b: {  	v16 =	vld [tilespmem:s29+$0x30];
	v15 =	vmul.f32 $-4.000000000e+02, v10;
	(erf) = vpow2.f32 v12;
	v12 =	vpop (erf)  }
0x15c: {  	v10 =	vmul.f32 $-4.000000000e+02, v0;
	(erf) = vpow2.f32 v2;
	v17 =	vpop (erf)  }
0x15d: {  	v0 =	vmul.f32 $-4.000000000e+02, v13;
	(erf) = vpow2.f32 v7;
	v7 =	vpop (erf)  }
0x15e: {  	v2 =	vmul.f32 $-4.000000000e+02, v14;
	v13 =	vld [tilespmem:s29+$0xD0];
	(erf) = vpow2.f32 v8;
	v14 =	vpop (erf)  }
0x15f: {  	v4 =	vadd.f32 $1.000000000e+00, v4;
	v3 =	vmul.f32 $-4.000000000e+02, v3;
	(erf) = vpow2.f32 v5;
	v18 =	vpop (erf)  }
0x160: {  	v8 =	vld [tilespmem:s29+$0x50];
	(erf) = vpow2.f32 v1;
	v1 =	vmul.f32 $-4.000000000e+02, v16;
	v16 =	vadd.f32 $1.000000000e+00, v18  }
0x161: {  	v19 =	vld [tilespmem:s29+$0x20];
	v9 =	vadd.f32 $1.000000000e+00, v9;
	v10 =	vmul.f32 $1.442695020e+00, v10;
	v2 =	vmul.f32 $1.442695020e+00, v2  }
0x162: {  	v20 =	vld [tilespmem:s29+$0xF0];
	v3 =	vmul.f32 $1.442695020e+00, v3;
	(erf) = vrcp.f32 v4;
	v18 =	vpop (erf)  }
0x163: {  	v5 =	vld [tilespmem:s29+$0x70];
	v60 =	vadd.f32 $1.000000000e+00, v14;
	v13 =	vmul.f32 $-4.000000000e+02, v13;
	v21 =	vpop (erf);
	(erf) = vrcp.f32 v9  }
0x164: {  	v4 =	vmul.f32 $1.442695020e+00, v1;
	(erf) = vrcp.f32 v16;
	v21 =	vadd.f32 $1.000000000e+00, v21;
	v16 =	vpop (erf)  }
0x165: {  	v25 =	vmul.f32 $-4.000000000e+02, v8;
	(erf) = vpow2.f32 v11;
	v24 =	vpop (erf);
	v8 =	vadd.f32 $1.000000000e+00, v16  }
0x166: {  	v22 =	vld [tilespmem:s29+$0x0];
	v14 =	vadd.f32 $1.000000000e+00, v7;
	v9 =	vmul.f32 $-4.000000000e+02, v19;
	(erf) = vpow2.f32 v3;
	v3 =	vpop (erf)  }
0x167: {  	v1 =	vadd.f32 $1.000000000e+00, v12;
	v23 =	vmul.f32 $1.442695020e+00, v13;
	v19 =	vpop (erf);
	(erf) = vrcp.f32 v21  }
0x168: {  	v13 =	vmul.f32 $-4.000000000e+02, v5;
	v5 =	vmul.f32 $-4.000000000e+02, v20;
	v20 =	vld [tilespmem:s29+$0xC0];
	v3 =	vadd.f32 $1.000000000e+00, v3;
	v12 =	vpop (erf)  }
0x169: {  	v7 =	vmul.f32 $1.442695020e+00, v15;
	v11 =	vld [tilespmem:s29+$0x80];
	v16 =	vadd.f32 $1.000000000e+00, v18;
	(erf) = vrcp.f32 v8;
	v8 =	vpop (erf)  }
0x16a: {  	[tilespmem:s28+$0x60] =	vst v17;
	v17 =	vmul.f32 $1.442695020e+00, v25;
	(erf) = vrcp.f32 v3;
	v61 =	vpop (erf)  }
0x16b: {  	v18 =	vmul.f32 $-4.000000000e+02, v22;
	v26 =	vadd.f32 $1.000000000e+00, v12;
	(erf) = vrcp.f32 v16;
	v12 =	vpop (erf)  }
0x16c: {  	v5 =	vmul.f32 $1.442695020e+00, v5;
	(erf) = vpow2.f32 v6;
	v3 =	vpop (erf)  }
0x16d: {  	v20 =	vmul.f32 $-4.000000000e+02, v20;
	v15 =	vadd.f32 $1.000000000e+00, v8;
	(erf) = vpow2.f32 v23;
	v62 =	vpop (erf)  }
0x16e: {  	v11 =	vmul.f32 $-4.000000000e+02, v11;
	(erf) = vrcp.f32 v14;
	v63 =	vpop (erf)  }
0x16f: {  	v16 =	vadd.f32 $1.000000000e+00, v24;
	v8 =	vmul.f32 $1.442695020e+00, v18;
	(erf) = vrcp.f32 v15;
	v6 =	vpop (erf)  }
0x170: {  	v14 =	vadd.f32 $1.000000000e+00, v19;
	[tilespmem:s28+$0xA0] =	vst v62;
	v18 =	vadd.f32 $1.000000000e+00, v63;
	(erf) = vrcp.f32 v26;
	v19 =	vpop (erf)  }
0x171: {  	s30 =	simm.s32 $0x102;
	s31 =	simm.s32 $0x8400;
	v15 =	vmul.f32 $1.442695020e+00, v20;
	(erf) = vrcp.f32 v60;
	[tilespmem:s28+$0x50] =	vst v19;
	v19 =	vadd.f32 $1.000000000e+00, v61  }
.LBB2_6:
0x172: {  	v20 =	vld [tilespmem:s31+$0x60];
	s30 =	sadd.s32 $0x2, s30;
	v9 =	vmul.f32 $1.442695020e+00, v9;
	(erf) = vrcp.f32 v18;
	v18 =	vpop (erf)  }
0x173: {  	v13 =	vmul.f32 $1.442695020e+00, v13;
	v21 =	vld [tilespmem:s31+$0x40];
	p0 =	slt.u32 s30, $0x17E;
	[tilespmem:s28+$0x40] =	vst v12;
	(erf) = vrcp.f32 v19;
	v12 =	vpop (erf)  }
0x174: {  	v22 =	vmul.f32 $1.442695020e+00, v0;
	v19 =	vld [tilespmem:s31+$0x50];
	[tilespmem:s28+$0x90] =	vst v12;
	(erf) = vrcp.f32 v1;
	v0 =	vpop (erf)  }
0x175: {  	v12 =	vld [tilespmem:s31+$0x90];
	v23 =	vpop (erf);
	(erf) = vpow2.f32 v13;
	[tilespmem:s28+$0xE0] =	vst v0  }
0x176: {  	v0 =	vld [tilespmem:s31+$0xE0];
	(erf) = vpow2.f32 v4;
	v1 =	vpop (erf);
	[tilespmem:s28+$0xC0] =	vst v18  }
0x177: {  	v4 =	vmul.f32 $-4.000000000e+02, v20;
	v13 =	vld [tilespmem:s31+$0xB0];
	v1 =	vadd.f32 $1.000000000e+00, v1;
	v18 =	vpop (erf);
	(erf) = vrcp.f32 v16  }
0x178: {  	v11 =	vmul.f32 $1.442695020e+00, v11;
	v16 =	vld [tilespmem:s31+$0x10];
	(erf) = vpow2.f32 v2;
	v2 =	vpop (erf)  }
0x179: {  	v20 =	vmul.f32 $-4.000000000e+02, v21;
	v21 =	vld [tilespmem:s31+$0xA0];
	[tilespmem:s28+$0x70] =	vst v18;
	(erf) = vrcp.f32 v14;
	v14 =	vpop (erf)  }
0x17a: {  	v18 =	vmul.f32 $1.442695020e+00, v4;
	v24 =	vld [tilespmem:s31+$0x70];
	(erf) = vpow2.f32 v10;
	[tilespmem:s28+$0x10] =	vst v2;
	v2 =	vpop (erf)  }
0x17b: {  	v20 =	vmul.f32 $1.442695020e+00, v20;
	v25 =	vld [tilespmem:s31+$0x80];
	(erf) = vpow2.f32 v17;
	v4 =	vpop (erf);
	[tilespmem:s28+$0x30] =	vst v2  }
0x17c: {  	v10 =	vadd.f32 $1.000000000e+00, v23;
	v17 =	vmul.f32 $-4.000000000e+02, v12;
	(erf) = vpow2.f32 v15;
	[tilespmem:s28+$0xB0] =	vst v3;
	v2 =	vpop (erf)  }
0x17d: {  	v12 =	vmul.f32 $-4.000000000e+02, v0;
	v3 =	vld [tilespmem:s31+$0x30];
	(erf) = vpow2.f32 v5;
	[tilespmem:s28+$0x80] =	vst v2;
	v2 =	vpop (erf)  }
0x17e: {  	v0 =	vmul.f32 $-4.000000000e+02, v16;
	v5 =	vld [tilespmem:s31+$0x20];
	v15 =	vpop (erf);
	(erf) = vpow2.f32 v7;
	[tilespmem:s28+$0x20] =	vst v14  }
0x17f: {  	v16 =	vmul.f32 $-4.000000000e+02, v21;
	v14 =	vld [tilespmem:s31+$0xD0];
	(erf) = vpow2.f32 v8;
	v8 =	vpop (erf);
	[tilespmem:s28+$0xD0] =	vst v2  }
0x180: {  	v13 =	vmul.f32 $-4.000000000e+02, v13;
	[tilespmem:s29+$0x60] =	vst v4;
	(erf) = vpow2.f32 v9;
	v4 =	vpop (erf)  }
0x181: {  	v2 =	vmul.f32 $1.442695020e+00, v16;
	(erf) = vpow2.f32 v22;
	v7 =	vpop (erf);
	[tilespmem:s28+$0xF0] =	vst v4  }
0x182: {  	v9 =	vmul.f32 $1.442695020e+00, v13;
	v4 =	vadd.f32 $1.000000000e+00, v6;
	(erf) = vpow2.f32 v11;
	v6 =	vpop (erf)  }
0x183: {  	v3 =	vmul.f32 $-4.000000000e+02, v3;
	v13 =	vadd.f32 $1.000000000e+00, v7;
	(erf) = vrcp.f32 v10;
	v10 =	vpop (erf);
	[tilespmem:s28+$0x0] =	vst v6;
	s28 =	smov.u32 s29;
	s29 =	smov.u32 s31  }
0x184: {  	v21 =	vadd.f32 $1.000000000e+00, v8;
	v6 =	vmul.f32 $-4.000000000e+02, v14;
	v11 =	vld [tilespmem:s31+$0xF0];
	v8 =	vpop (erf);
	(erf) = vrcp.f32 v4  }
0x185: {  	v4 =	vmul.f32 $1.442695020e+00, v3;
	v14 =	vld [tilespmem:s31+$0x0];
	v3 =	vadd.f32 $1.000000000e+00, v8;
	(erf) = vrcp.f32 v13;
	v7 =	vpop (erf)  }
0x186: {  	v8 =	vadd.f32 $1.000000000e+00, v10;
	v6 =	vmul.f32 $1.442695020e+00, v6;
	(erf) = vpow2.f32 v18;
	v16 =	vpop (erf)  }
0x187: {  	v19 =	vmul.f32 $-4.000000000e+02, v19;
	(erf) = vpow2.f32 v9;
	v10 =	vpop (erf)  }
0x188: {  	v9 =	vmul.f32 $-4.000000000e+02, v5;
	v5 =	vadd.f32 $1.000000000e+00, v7;
	v18 =	vpop (erf);
	(erf) = vrcp.f32 v3  }
0x189: {  	v13 =	vmul.f32 $-4.000000000e+02, v24;
	v7 =	vadd.f32 $1.000000000e+00, v10;
	v3 =	vmul.f32 $-4.000000000e+02, v11;
	v10 =	vpop (erf)  }
0x18a: {  	v22 =	vmul.f32 $-4.000000000e+02, v14;
	v23 =	vld [tilespmem:s31+$0xC0];
	v24 =	vadd.f32 $1.000000000e+00, v10;
	v26 =	vpop (erf);
	(erf) = vrcp.f32 v5  }
0x18b: {  	v15 =	vadd.f32 $1.000000000e+00, v15;
	v5 =	vmul.f32 $1.442695020e+00, v3;
	v27 =	vpop (erf);
	(erf) = vrcp.f32 v7  }
0x18c: {  	v16 =	vadd.f32 $1.000000000e+00, v16;
	v10 =	vmul.f32 $1.442695020e+00, v12;
	v12 =	vpop (erf);
	(erf) = vrcp.f32 v8  }
0x18d: {  	v14 =	vadd.f32 $1.000000000e+00, v18;
	v7 =	vmul.f32 $1.442695020e+00, v17;
	(erf) = vpow2.f32 v20;
	v3 =	vpop (erf)  }
.Ltmp2:
0x18e: {  	v11 =	vmul.f32 $-4.000000000e+02, v25;
	v17 =	vadd.f32 $1.000000000e+00, v26;
	(erf) = vpow2.f32 v6;
	v6 =	vpop (erf);
	(pc) =	sbr.rel @p0 .LBB2_6-.Ltmp2, $4  }
0x18f: {  	v23 =	vmul.f32 $-4.000000000e+02, v23;
	v18 =	vpop (erf);
	[tilespmem:s28+$0xA0] =	vst v6;
	(erf) = vrcp.f32 v15  }
0x190: {  	v8 =	vmul.f32 $1.442695020e+00, v22;
	v18 =	vadd.f32 $1.000000000e+00, v18;
	v6 =	vpop (erf);
	(erf) = vrcp.f32 v17  }
0x191: {  	v15 =	vmul.f32 $1.442695020e+00, v23;
	(erf) = vrcp.f32 v24;
	v20 =	vpop (erf)  }
0x192: {  	s31 =	sadd.s32 $0x100, s31;
	v17 =	vmul.f32 $1.442695020e+00, v19;
	v19 =	vadd.f32 $1.000000000e+00, v27;
	[tilespmem:s28+$0x50] =	vst v20;
	(erf) = vrcp.f32 v21  }
0x193: {  	(erf) = vrcp.f32 v18;
	v18 =	vpop (erf)  }
0x194: {  	v13 =	vmul.f32 $1.442695020e+00, v13;
	(erf) = vrcp.f32 v19;
	v19 =	vpop (erf)  }
0x195: {  	(erf) = vrcp.f32 v1;
	v1 =	vpop (erf)  }
0x196: {  	v20 =	vpop (erf);
	(erf) = vpow2.f32 v13  }
0x197: {  	(erf) = vpow2.f32 v4;
	v4 =	vpop (erf)  }
0x198: {  	v13 =	vpop (erf);
	(erf) = vrcp.f32 v16  }
0x199: {  	(erf) = vpow2.f32 v2;
	v2 =	vpop (erf)  }
0x19a: {  	(erf) = vrcp.f32 v14;
	v14 =	vpop (erf)  }
0x19b: {  	(erf) = vpow2.f32 v10;
	v10 =	vpop (erf)  }
0x19c: {  	(erf) = vpow2.f32 v17;
	v16 =	vpop (erf)  }
0x19d: {  	(erf) = vpow2.f32 v15;
	v15 =	vpop (erf)  }
0x19e: {  	v0 =	vmul.f32 $1.442695020e+00, v0;
	(erf) = vpow2.f32 v5;
	v5 =	vpop (erf)  }
0x19f: {  	v9 =	vmul.f32 $1.442695020e+00, v9;
	v17 =	vpop (erf);
	(erf) = vpow2.f32 v7  }
0x1a0: {  	(erf) = vpow2.f32 v8;
	v7 =	vpop (erf)  }
0x1a1: {  	(erf) = vpow2.f32 v9;
	v8 =	vpop (erf);
	v9 =	vmul.f32 $1.442695020e+00, v11  }
0x1a2: {  	(erf) = vpow2.f32 v0;
	v0 =	vpop (erf)  }
0x1a3: {  	v11 =	vpop (erf)  }
0x1a4: {  	[tilespmem:s28+$0x40] =	vst v12;
	v12 =	vadd.f32 $1.000000000e+00, v20;
	v0 =	vadd.f32 $1.000000000e+00, v0;
	v20 =	vpop (erf)  }
0x1a5: {  	v6 =	vadd.f32 $1.000000000e+00, v6;
	(erf) = vpow2.f32 v9;
	v9 =	vpop (erf)  }
0x1a6: {  	[tilespmem:s28+$0xE0] =	vst v1;
	(erf) = vrcp.f32 v12;
	v1 =	vpop (erf)  }
0x1a7: {  	[tilespmem:s28+$0xB0] =	vst v3;
	(erf) = vrcp.f32 v6;
	v6 =	vadd.f32 $1.000000000e+00, v9;
	v9 =	vpop (erf);
	v1 =	vadd.f32 $1.000000000e+00, v1  }
0x1a8: {  	[tilespmem:s28+$0xC0] =	vst v18;
	(erf) = vrcp.f32 v0;
	v0 =	vpop (erf)  }
0x1a9: {  	[tilespmem:s28+$0x10] =	vst v2;
	v2 =	vpop (erf)  }
0x1aa: {  	[tilespmem:s28+$0x30] =	vst v10;
	(erf) = vrcp.f32 v6;
	v0 =	vadd.f32 $1.000000000e+00, v0;
	v10 =	vpop (erf)  }
0x1ab: {  	[tilespmem:s28+$0x90] =	vst v19;
	v6 =	vadd.f32 $1.000000000e+00, v20;
	(erf) = vrcp.f32 v1;
	v1 =	vpop (erf)  }
0x1ac: {  	[tilespmem:s28+$0x70] =	vst v13;
	v3 =	vadd.f32 $1.000000000e+00, v17;
	(erf) = vrcp.f32 v0;
	v0 =	vadd.f32 $1.000000000e+00, v1  }
0x1ad: {  	[tilespmem:s28+$0x20] =	vst v14;
	(erf) = vrcp.f32 v6;
	v1 =	vadd.f32 $1.000000000e+00, v10  }
0x1ae: {  	[tilespmem:s29+$0x60] =	vst v16;
	(erf) = vrcp.f32 v3;
	v3 =	vadd.f32 $1.000000000e+00, v7  }
0x1af: {  	[tilespmem:s28+$0xD0] =	vst v5;
	v5 =	vpop (erf)  }
0x1b0: {  	[tilespmem:s28+$0x80] =	vst v15;
	(erf) = vrcp.f32 v0;
	v0 =	vpop (erf)  }
0x1b1: {  	[tilespmem:s28+$0xF0] =	vst v8;
	(erf) = vrcp.f32 v1;
	v1 =	vpop (erf)  }
0x1b2: {  	[tilespmem:s28+$0x0] =	vst v11;
	v5 =	vadd.f32 $1.000000000e+00, v5;
	(erf) = vrcp.f32 v3;
	v3 =	vpop (erf)  }
0x1b3: {  	v4 =	vadd.f32 $1.000000000e+00, v4;
	[tilespmem:s29+$0xA0] =	vst v3;
	v3 =	vpop (erf)  }
0x1b4: {  	(erf) = vrcp.f32 v5;
	v5 =	vadd.f32 $1.000000000e+00, v9;
	[tilespmem:s29+$0x50] =	vst v3;
	v3 =	vpop (erf)  }
0x1b5: {  	v2 =	vadd.f32 $1.000000000e+00, v2;
	[tilespmem:s29+$0x40] =	vst v0;
	(erf) = vrcp.f32 v4;
	v0 =	vpop (erf)  }
0x1b6: {  	(erf) = vrcp.f32 v5;
	[tilespmem:s29+$0x90] =	vst v0;
	v0 =	vpop (erf)  }
0x1b7: {  	[tilespmem:s29+$0xE0] =	vst v0;
	v0 =	vpop (erf);
	(erf) = vrcp.f32 v2  }
0x1b8: {  	[tilespmem:s29+$0xB0] =	vst v1  }
0x1b9: {  	[tilespmem:s29+$0xC0] =	vst v3  }
0x1ba: {  	v2 =	vpop (erf);
	[tilespmem:s29+$0x70] =	vst v0  }
0x1bb: {  	v0 =	vpop (erf);
	[tilespmem:s29+$0x10] =	vst v2  }
0x1bc: {  	v2 =	vpop (erf);
	[tilespmem:s29+$0x20] =	vst v0  }
0x1bd: {  	[tilespmem:s29+$0x30] =	vst v2;
	v1 =	vpop (erf)  }
0x1be: {  	[tilespmem:s29+$0x80] =	vst v1;
	v1 =	vpop (erf)  }
0x1bf: {  	[tilespmem:s29+$0xD0] =	vst v1;
	v0 =	vpop (erf)  }
0x1c0: {  	[tilespmem:s29+$0xF0] =	vst v0;
	v0 =	vpop (erf)  }
0x1c1: {  	[tilespmem:s29+$0x0] =	vst v0  }
0x1c2: {  	[hbm4b:s7+s3] =	stream.linear.scatter [tilespmem:s15], [sflag:$0x7], $0x4000, $0x38;
	[tilespmem:$0x10200] =	vst v63  }
0x1c3: {  	_ =	swait.ge [sflag:s21], $0x4000  }
0x1c4: {  	[sflag:s21] =	ssyncset.done $0x0  }
0x1c5: {  	s28 =	simm.s32 $0xC200;
	[sflag:s21] =	ssyncadd.s32 $0xFFFFC000  }
0x1c6: {  	v0 =	vld [tilespmem:s28+$0x60]  }
0x1c7: {  	v1 =	vld [tilespmem:s28+$0x40]  }
0x1c8: {  	v2 =	vld [tilespmem:s28+$0x90]  }
0x1c9: {  	v3 =	vld [tilespmem:s28+$0xE0]  }
0x1ca: {  	v4 =	vld [tilespmem:s28+$0xB0]  }
0x1cb: {  	v5 =	vld [tilespmem:s28+$0x10]  }
0x1cc: {  	v6 =	vld [tilespmem:s28+$0xA0]  }
0x1cd: {  	v7 =	vld [tilespmem:s28+$0x30]  }
0x1ce: {  	v9 =	vld [tilespmem:s28+$0x50]  }
0x1cf: {  	v10 =	vld [tilespmem:s28+$0x70]  }
0x1d0: {  	v11 =	vld [tilespmem:s28+$0x20];
	v0 =	vmul.f32 $-4.000000000e+02, v0  }
0x1d1: {  	v12 =	vld [tilespmem:s28+$0xF0];
	v1 =	vmul.f32 $-4.000000000e+02, v1;
	v2 =	vmul.f32 $-4.000000000e+02, v2  }
0x1d2: {  	v8 =	vld [tilespmem:s28+$0xD0];
	v3 =	vmul.f32 $-4.000000000e+02, v3;
	v0 =	vmul.f32 $1.442695020e+00, v0  }
0x1d3: {  	v5 =	vmul.f32 $-4.000000000e+02, v5;
	v6 =	vmul.f32 $-4.000000000e+02, v6  }
0x1d4: {  	v4 =	vmul.f32 $-4.000000000e+02, v4;
	(erf) = vpow2.f32 v0  }
0x1d5: {  	v9 =	vmul.f32 $-4.000000000e+02, v9;
	v11 =	vmul.f32 $-4.000000000e+02, v11  }
0x1d6: {  	v12 =	vmul.f32 $-4.000000000e+02, v12;
	v10 =	vmul.f32 $-4.000000000e+02, v10  }
0x1d7: {  	v0 =	vmul.f32 $-4.000000000e+02, v7;
	v7 =	vmul.f32 $-4.000000000e+02, v8;
	v8 =	vld [tilespmem:s28+$0x0]  }
0x1d8: {  	v13 =	vld [tilespmem:s28+$0x80];
	v1 =	vmul.f32 $1.442695020e+00, v1;
	v6 =	vmul.f32 $1.442695020e+00, v6  }
0x1d9: {  	v4 =	vmul.f32 $1.442695020e+00, v4;
	v12 =	vmul.f32 $1.442695020e+00, v12  }
0x1da: {  	v3 =	vmul.f32 $1.442695020e+00, v3;
	v2 =	vmul.f32 $1.442695020e+00, v2  }
0x1db: {  	v10 =	vmul.f32 $1.442695020e+00, v10;
	(erf) = vpow2.f32 v4  }
0x1dc: {  	v4 =	vld [tilespmem:s28+$0xC0];
	v7 =	vmul.f32 $1.442695020e+00, v7;
	v8 =	vmul.f32 $-4.000000000e+02, v8  }
0x1dd: {  	(erf) = vpow2.f32 v1;
	v1 =	vmul.f32 $-4.000000000e+02, v13;
	v13 =	vpop (erf)  }
0x1de: {  	s29 =	simm.s32 $0xC300;
	(erf) = vpow2.f32 v7;
	v7 =	vmul.f32 $1.442695020e+00, v8;
	v8 =	vadd.f32 $1.000000000e+00, v13  }
0x1df: {  	v9 =	vmul.f32 $1.442695020e+00, v9;
	v5 =	vmul.f32 $1.442695020e+00, v5;
	v13 =	vld [tilespmem:s29+$0x60]  }
0x1e0: {  	v14 =	vld [tilespmem:s29+$0x40];
	v0 =	vmul.f32 $1.442695020e+00, v0;
	(erf) = vrcp.f32 v8  }
0x1e1: {  	v4 =	vmul.f32 $-4.000000000e+02, v4;
	(erf) = vpow2.f32 v10  }
0x1e2: {  	v1 =	vmul.f32 $1.442695020e+00, v1;
	(erf) = vpow2.f32 v0  }
0x1e3: {  	v4 =	vmul.f32 $1.442695020e+00, v4;
	v10 =	vld [tilespmem:s29+$0x90];
	(erf) = vpow2.f32 v6  }
0x1e4: {  	v8 =	vmul.f32 $1.442695020e+00, v11;
	v0 =	vld [tilespmem:s29+$0xE0];
	v11 =	vmul.f32 $-4.000000000e+02, v13  }
0x1e5: {  	v13 =	vld [tilespmem:s29+$0x10];
	v6 =	vmul.f32 $-4.000000000e+02, v14;
	(erf) = vpow2.f32 v3  }
0x1e6: {  	v14 =	vld [tilespmem:s29+$0xA0];
	v11 =	vmul.f32 $1.442695020e+00, v11;
	(erf) = vpow2.f32 v9;
	v9 =	vpop (erf)  }
0x1e7: {  	v3 =	vld [tilespmem:s29+$0xB0];
	v6 =	vmul.f32 $1.442695020e+00, v6;
	(erf) = vpow2.f32 v4;
	v4 =	vpop (erf)  }
0x1e8: {  	v16 =	vld [tilespmem:s29+$0x30];
	v15 =	vmul.f32 $-4.000000000e+02, v10;
	(erf) = vpow2.f32 v12;
	v12 =	vpop (erf)  }
0x1e9: {  	v10 =	vmul.f32 $-4.000000000e+02, v0;
	(erf) = vpow2.f32 v2;
	v17 =	vpop (erf)  }
0x1ea: {  	v0 =	vmul.f32 $-4.000000000e+02, v13;
	(erf) = vpow2.f32 v7;
	v7 =	vpop (erf)  }
0x1eb: {  	v2 =	vmul.f32 $-4.000000000e+02, v14;
	v13 =	vld [tilespmem:s29+$0xD0];
	(erf) = vpow2.f32 v8;
	v14 =	vpop (erf)  }
0x1ec: {  	v4 =	vadd.f32 $1.000000000e+00, v4;
	v3 =	vmul.f32 $-4.000000000e+02, v3;
	(erf) = vpow2.f32 v5;
	v18 =	vpop (erf)  }
0x1ed: {  	v8 =	vld [tilespmem:s29+$0x50];
	(erf) = vpow2.f32 v1;
	v1 =	vmul.f32 $-4.000000000e+02, v16;
	v16 =	vadd.f32 $1.000000000e+00, v18  }
0x1ee: {  	v19 =	vld [tilespmem:s29+$0x20];
	v9 =	vadd.f32 $1.000000000e+00, v9;
	v10 =	vmul.f32 $1.442695020e+00, v10;
	v2 =	vmul.f32 $1.442695020e+00, v2  }
0x1ef: {  	v20 =	vld [tilespmem:s29+$0xF0];
	v3 =	vmul.f32 $1.442695020e+00, v3;
	(erf) = vrcp.f32 v4;
	v18 =	vpop (erf)  }
0x1f0: {  	v5 =	vld [tilespmem:s29+$0x70];
	v60 =	vadd.f32 $1.000000000e+00, v14;
	v13 =	vmul.f32 $-4.000000000e+02, v13;
	v21 =	vpop (erf);
	(erf) = vrcp.f32 v9  }
0x1f1: {  	v4 =	vmul.f32 $1.442695020e+00, v1;
	(erf) = vrcp.f32 v16;
	v21 =	vadd.f32 $1.000000000e+00, v21;
	v16 =	vpop (erf)  }
0x1f2: {  	v25 =	vmul.f32 $-4.000000000e+02, v8;
	(erf) = vpow2.f32 v11;
	v24 =	vpop (erf);
	v8 =	vadd.f32 $1.000000000e+00, v16  }
0x1f3: {  	v22 =	vld [tilespmem:s29+$0x0];
	v14 =	vadd.f32 $1.000000000e+00, v7;
	v9 =	vmul.f32 $-4.000000000e+02, v19;
	(erf) = vpow2.f32 v3;
	v3 =	vpop (erf)  }
0x1f4: {  	v1 =	vadd.f32 $1.000000000e+00, v12;
	v23 =	vmul.f32 $1.442695020e+00, v13;
	v19 =	vpop (erf);
	(erf) = vrcp.f32 v21  }
0x1f5: {  	v13 =	vmul.f32 $-4.000000000e+02, v5;
	v5 =	vmul.f32 $-4.000000000e+02, v20;
	v20 =	vld [tilespmem:s29+$0xC0];
	v3 =	vadd.f32 $1.000000000e+00, v3;
	v12 =	vpop (erf)  }
0x1f6: {  	v7 =	vmul.f32 $1.442695020e+00, v15;
	v11 =	vld [tilespmem:s29+$0x80];
	v16 =	vadd.f32 $1.000000000e+00, v18;
	(erf) = vrcp.f32 v8;
	v8 =	vpop (erf)  }
0x1f7: {  	[tilespmem:s28+$0x60] =	vst v17;
	v17 =	vmul.f32 $1.442695020e+00, v25;
	(erf) = vrcp.f32 v3;
	v61 =	vpop (erf)  }
0x1f8: {  	v18 =	vmul.f32 $-4.000000000e+02, v22;
	v26 =	vadd.f32 $1.000000000e+00, v12;
	(erf) = vrcp.f32 v16;
	v12 =	vpop (erf)  }
0x1f9: {  	v5 =	vmul.f32 $1.442695020e+00, v5;
	(erf) = vpow2.f32 v6;
	v3 =	vpop (erf)  }
0x1fa: {  	v20 =	vmul.f32 $-4.000000000e+02, v20;
	v15 =	vadd.f32 $1.000000000e+00, v8;
	(erf) = vpow2.f32 v23;
	v62 =	vpop (erf)  }
0x1fb: {  	v11 =	vmul.f32 $-4.000000000e+02, v11;
	(erf) = vrcp.f32 v14;
	v63 =	vpop (erf)  }
0x1fc: {  	v16 =	vadd.f32 $1.000000000e+00, v24;
	v8 =	vmul.f32 $1.442695020e+00, v18;
	(erf) = vrcp.f32 v15;
	v6 =	vpop (erf)  }
0x1fd: {  	v14 =	vadd.f32 $1.000000000e+00, v19;
	[tilespmem:s28+$0xA0] =	vst v62;
	v18 =	vadd.f32 $1.000000000e+00, v63;
	(erf) = vrcp.f32 v26;
	v19 =	vpop (erf)  }
0x1fe: {  	s30 =	simm.s32 $0x182;
	s31 =	simm.s32 $0xC400;
	v15 =	vmul.f32 $1.442695020e+00, v20;
	(erf) = vrcp.f32 v60;
	[tilespmem:s28+$0x50] =	vst v19;
	v19 =	vadd.f32 $1.000000000e+00, v61  }
.LBB2_8:
0x1ff: {  	v20 =	vld [tilespmem:s31+$0x60];
	s30 =	sadd.s32 $0x2, s30;
	v9 =	vmul.f32 $1.442695020e+00, v9;
	(erf) = vrcp.f32 v18;
	v18 =	vpop (erf)  }
0x200: {  	v13 =	vmul.f32 $1.442695020e+00, v13;
	v21 =	vld [tilespmem:s31+$0x40];
	p0 =	slt.u32 s30, $0x1FE;
	[tilespmem:s28+$0x40] =	vst v12;
	(erf) = vrcp.f32 v19;
	v12 =	vpop (erf)  }
0x201: {  	v22 =	vmul.f32 $1.442695020e+00, v0;
	v19 =	vld [tilespmem:s31+$0x50];
	[tilespmem:s28+$0x90] =	vst v12;
	(erf) = vrcp.f32 v1;
	v0 =	vpop (erf)  }
0x202: {  	v12 =	vld [tilespmem:s31+$0x90];
	v23 =	vpop (erf);
	(erf) = vpow2.f32 v13;
	[tilespmem:s28+$0xE0] =	vst v0  }
0x203: {  	v0 =	vld [tilespmem:s31+$0xE0];
	(erf) = vpow2.f32 v4;
	v1 =	vpop (erf);
	[tilespmem:s28+$0xC0] =	vst v18  }
0x204: {  	v4 =	vmul.f32 $-4.000000000e+02, v20;
	v13 =	vld [tilespmem:s31+$0xB0];
	v1 =	vadd.f32 $1.000000000e+00, v1;
	v18 =	vpop (erf);
	(erf) = vrcp.f32 v16  }
0x205: {  	v11 =	vmul.f32 $1.442695020e+00, v11;
	v16 =	vld [tilespmem:s31+$0x10];
	(erf) = vpow2.f32 v2;
	v2 =	vpop (erf)  }
0x206: {  	v20 =	vmul.f32 $-4.000000000e+02, v21;
	v21 =	vld [tilespmem:s31+$0xA0];
	[tilespmem:s28+$0x70] =	vst v18;
	(erf) = vrcp.f32 v14;
	v14 =	vpop (erf)  }
0x207: {  	v18 =	vmul.f32 $1.442695020e+00, v4;
	v24 =	vld [tilespmem:s31+$0x70];
	(erf) = vpow2.f32 v10;
	[tilespmem:s28+$0x10] =	vst v2;
	v2 =	vpop (erf)  }
0x208: {  	v20 =	vmul.f32 $1.442695020e+00, v20;
	v25 =	vld [tilespmem:s31+$0x80];
	(erf) = vpow2.f32 v17;
	v4 =	vpop (erf);
	[tilespmem:s28+$0x30] =	vst v2  }
0x209: {  	v10 =	vadd.f32 $1.000000000e+00, v23;
	v17 =	vmul.f32 $-4.000000000e+02, v12;
	(erf) = vpow2.f32 v15;
	[tilespmem:s28+$0xB0] =	vst v3;
	v2 =	vpop (erf)  }
0x20a: {  	v12 =	vmul.f32 $-4.000000000e+02, v0;
	v3 =	vld [tilespmem:s31+$0x30];
	(erf) = vpow2.f32 v5;
	[tilespmem:s28+$0x80] =	vst v2;
	v2 =	vpop (erf)  }
0x20b: {  	v0 =	vmul.f32 $-4.000000000e+02, v16;
	v5 =	vld [tilespmem:s31+$0x20];
	v15 =	vpop (erf);
	(erf) = vpow2.f32 v7;
	[tilespmem:s28+$0x20] =	vst v14  }
0x20c: {  	v16 =	vmul.f32 $-4.000000000e+02, v21;
	v14 =	vld [tilespmem:s31+$0xD0];
	(erf) = vpow2.f32 v8;
	v8 =	vpop (erf);
	[tilespmem:s28+$0xD0] =	vst v2  }
0x20d: {  	v13 =	vmul.f32 $-4.000000000e+02, v13;
	[tilespmem:s29+$0x60] =	vst v4;
	(erf) = vpow2.f32 v9;
	v4 =	vpop (erf)  }
0x20e: {  	v2 =	vmul.f32 $1.442695020e+00, v16;
	(erf) = vpow2.f32 v22;
	v7 =	vpop (erf);
	[tilespmem:s28+$0xF0] =	vst v4  }
0x20f: {  	v9 =	vmul.f32 $1.442695020e+00, v13;
	v4 =	vadd.f32 $1.000000000e+00, v6;
	(erf) = vpow2.f32 v11;
	v6 =	vpop (erf)  }
0x210: {  	v3 =	vmul.f32 $-4.000000000e+02, v3;
	v13 =	vadd.f32 $1.000000000e+00, v7;
	(erf) = vrcp.f32 v10;
	v10 =	vpop (erf);
	[tilespmem:s28+$0x0] =	vst v6;
	s28 =	smov.u32 s29;
	s29 =	smov.u32 s31  }
0x211: {  	v21 =	vadd.f32 $1.000000000e+00, v8;
	v6 =	vmul.f32 $-4.000000000e+02, v14;
	v11 =	vld [tilespmem:s31+$0xF0];
	v8 =	vpop (erf);
	(erf) = vrcp.f32 v4  }
0x212: {  	v4 =	vmul.f32 $1.442695020e+00, v3;
	v14 =	vld [tilespmem:s31+$0x0];
	v3 =	vadd.f32 $1.000000000e+00, v8;
	(erf) = vrcp.f32 v13;
	v7 =	vpop (erf)  }
0x213: {  	v8 =	vadd.f32 $1.000000000e+00, v10;
	v6 =	vmul.f32 $1.442695020e+00, v6;
	(erf) = vpow2.f32 v18;
	v16 =	vpop (erf)  }
0x214: {  	v19 =	vmul.f32 $-4.000000000e+02, v19;
	(erf) = vpow2.f32 v9;
	v10 =	vpop (erf)  }
0x215: {  	v9 =	vmul.f32 $-4.000000000e+02, v5;
	v5 =	vadd.f32 $1.000000000e+00, v7;
	v18 =	vpop (erf);
	(erf) = vrcp.f32 v3  }
0x216: {  	v13 =	vmul.f32 $-4.000000000e+02, v24;
	v7 =	vadd.f32 $1.000000000e+00, v10;
	v3 =	vmul.f32 $-4.000000000e+02, v11;
	v10 =	vpop (erf)  }
0x217: {  	v22 =	vmul.f32 $-4.000000000e+02, v14;
	v23 =	vld [tilespmem:s31+$0xC0];
	v24 =	vadd.f32 $1.000000000e+00, v10;
	v26 =	vpop (erf);
	(erf) = vrcp.f32 v5  }
0x218: {  	v15 =	vadd.f32 $1.000000000e+00, v15;
	v5 =	vmul.f32 $1.442695020e+00, v3;
	v27 =	vpop (erf);
	(erf) = vrcp.f32 v7  }
0x219: {  	v16 =	vadd.f32 $1.000000000e+00, v16;
	v10 =	vmul.f32 $1.442695020e+00, v12;
	v12 =	vpop (erf);
	(erf) = vrcp.f32 v8  }
0x21a: {  	v14 =	vadd.f32 $1.000000000e+00, v18;
	v7 =	vmul.f32 $1.442695020e+00, v17;
	(erf) = vpow2.f32 v20;
	v3 =	vpop (erf)  }
.Ltmp3:
0x21b: {  	v11 =	vmul.f32 $-4.000000000e+02, v25;
	v17 =	vadd.f32 $1.000000000e+00, v26;
	(erf) = vpow2.f32 v6;
	v6 =	vpop (erf);
	(pc) =	sbr.rel @p0 .LBB2_8-.Ltmp3, $4  }
0x21c: {  	v23 =	vmul.f32 $-4.000000000e+02, v23;
	v18 =	vpop (erf);
	[tilespmem:s28+$0xA0] =	vst v6;
	(erf) = vrcp.f32 v15  }
0x21d: {  	v8 =	vmul.f32 $1.442695020e+00, v22;
	v18 =	vadd.f32 $1.000000000e+00, v18;
	v6 =	vpop (erf);
	(erf) = vrcp.f32 v17  }
0x21e: {  	v15 =	vmul.f32 $1.442695020e+00, v23;
	(erf) = vrcp.f32 v24;
	v20 =	vpop (erf)  }
0x21f: {  	s31 =	sadd.s32 $0x100, s31;
	v17 =	vmul.f32 $1.442695020e+00, v19;
	v19 =	vadd.f32 $1.000000000e+00, v27;
	[tilespmem:s28+$0x50] =	vst v20;
	(erf) = vrcp.f32 v21  }
0x220: {  	(erf) = vrcp.f32 v18;
	v55 =	vpop (erf)  }
0x221: {  	v13 =	vmul.f32 $1.442695020e+00, v13;
	(erf) = vrcp.f32 v19;
	v56 =	vpop (erf)  }
0x222: {  	(erf) = vrcp.f32 v1;
	v57 =	vpop (erf)  }
0x223: {  	v20 =	vpop (erf);
	(erf) = vpow2.f32 v13  }
0x224: {  	(erf) = vpow2.f32 v4;
	v58 =	vpop (erf)  }
0x225: {  	v59 =	vpop (erf);
	(erf) = vrcp.f32 v16  }
0x226: {  	(erf) = vpow2.f32 v2;
	v60 =	vpop (erf)  }
0x227: {  	(erf) = vrcp.f32 v14;
	v61 =	vpop (erf)  }
0x228: {  	(erf) = vpow2.f32 v10;
	v62 =	vpop (erf)  }
0x229: {  	(erf) = vpow2.f32 v17;
	v63 =	vpop (erf)  }
0x22a: {  	(erf) = vpow2.f32 v15;
	v24 =	vpop (erf)  }
0x22b: {  	(erf) = vpow2.f32 v5;
	v25 =	vpop (erf)  }
0x22c: {  	v9 =	vmul.f32 $1.442695020e+00, v9;
	v26 =	vpop (erf);
	(erf) = vpow2.f32 v7  }
0x22d: {  	v0 =	vmul.f32 $1.442695020e+00, v0;
	(erf) = vpow2.f32 v8;
	v27 =	vpop (erf)  }
0x22e: {  	(erf) = vpow2.f32 v9;
	v28 =	vpop (erf)  }
0x22f: {  	v30 =	vmul.f32 $1.442695020e+00, v11;
	[tilespmem:s28+$0x40] =	vst v12;
	(erf) = vpow2.f32 v0;
	v29 =	vpop (erf)  }
0x230: {  	[tilespmem:s28+$0xB0] =	vst v3;
	v32 =	vadd.f32 $1.000000000e+00, v20;
	v31 =	vpop (erf)  }
0x231: {  	v6 =	vadd.f32 $1.000000000e+00, v6;
	[tilespmem:s28+$0xC0] =	vst v55;
	(erf) = vpow2.f32 v30;
	v33 =	vpop (erf)  }
0x232: {  	[tilespmem:s28+$0x90] =	vst v56;
	v0 =	vadd.f32 $1.000000000e+00, v29;
	(erf) = vrcp.f32 v32;
	v34 =	vpop (erf)  }
0x233: {  	[tilespmem:s28+$0xE0] =	vst v57;
	(erf) = vrcp.f32 v6;
	v35 =	vpop (erf);
	v36 =	vadd.f32 $1.000000000e+00, v34  }
0x234: {  	[tilespmem:s28+$0x70] =	vst v59;
	v37 =	vpop (erf);
	(erf) = vrcp.f32 v0  }
0x235: {  	[tilespmem:s28+$0x10] =	vst v60;
	v1 =	vadd.f32 $1.000000000e+00, v35;
	v38 =	vpop (erf);
	(erf) = vrcp.f32 v36  }
0x236: {  	[tilespmem:s28+$0x20] =	vst v61;
	v39 =	vpop (erf);
	v0 =	vadd.f32 $1.000000000e+00, v38  }
0x237: {  	[tilespmem:s28+$0x30] =	vst v62;
	v40 =	vadd.f32 $1.000000000e+00, v33;
	(erf) = vrcp.f32 v1;
	v41 =	vpop (erf)  }
0x238: {  	[tilespmem:s29+$0x60] =	vst v63;
	v43 =	vadd.f32 $1.000000000e+00, v26;
	v42 =	vpop (erf);
	(erf) = vrcp.f32 v0  }
0x239: {  	[tilespmem:s28+$0x80] =	vst v24;
	(erf) = vrcp.f32 v40;
	v44 =	vadd.f32 $1.000000000e+00, v42  }
0x23a: {  	[tilespmem:s28+$0xD0] =	vst v25;
	v45 =	vadd.f32 $1.000000000e+00, v41;
	v47 =	vpop (erf);
	(erf) = vrcp.f32 v43  }
0x23b: {  	v46 =	vadd.f32 $1.000000000e+00, v27;
	[tilespmem:s28+$0xF0] =	vst v28;
	v48 =	vpop (erf);
	(erf) = vrcp.f32 v44  }
0x23c: {  	[tilespmem:s28+$0x0] =	vst v31;
	v5 =	vadd.f32 $1.000000000e+00, v47;
	v49 =	vpop (erf);
	(erf) = vrcp.f32 v45  }
0x23d: {  	v4 =	vadd.f32 $1.000000000e+00, v58;
	[tilespmem:s29+$0x40] =	vst v48;
	(erf) = vrcp.f32 v46;
	v50 =	vpop (erf)  }
0x23e: {  	v52 =	vadd.f32 $1.000000000e+00, v37;
	[tilespmem:s29+$0xB0] =	vst v49;
	v51 =	vpop (erf);
	(erf) = vrcp.f32 v5  }
0x23f: {  	v2 =	vadd.f32 $1.000000000e+00, v39;
	[tilespmem:s29+$0xA0] =	vst v50;
	(erf) = vrcp.f32 v4  }
0x240: {  	[tilespmem:s29+$0x50] =	vst v51;
	v53 =	vpop (erf);
	(erf) = vrcp.f32 v52  }
0x241: {  	[tilespmem:s29+$0xC0] =	vst v53;
	v54 =	vpop (erf);
	(erf) = vrcp.f32 v2  }
0x242: {  	[tilespmem:s29+$0x90] =	vst v54;
	v55 =	vpop (erf)  }
0x243: {  	[tilespmem:s29+$0xE0] =	vst v55;
	v56 =	vpop (erf)  }
0x244: {  	v57 =	vpop (erf);
	[tilespmem:s29+$0x70] =	vst v56  }
0x245: {  	v58 =	vpop (erf);
	[tilespmem:s29+$0x10] =	vst v57  }
0x246: {  	v59 =	vpop (erf);
	[tilespmem:s29+$0x20] =	vst v58  }
0x247: {  	[tilespmem:s29+$0x30] =	vst v59;
	v60 =	vpop (erf)  }
0x248: {  	[tilespmem:s29+$0x80] =	vst v60;
	v61 =	vpop (erf)  }
0x249: {  	[tilespmem:s29+$0xD0] =	vst v61;
	v62 =	vpop (erf)  }
0x24a: {  	[tilespmem:s29+$0xF0] =	vst v62;
	v63 =	vpop (erf)  }
0x24b: {  	[tilespmem:s29+$0x0] =	vst v63  }
0x24c: {  	[hbm4b:s8+s3] =	stream.linear.scatter [tilespmem:s17], [sflag:$0x8], $0x4000, $0x38;
	[tilespmem:$0x10200] =	vst v63  }
0x24d: {  	_ =	swait.ge [sflag:s22], $0x4000  }
0x24e: {  	[sflag:s22] =	ssyncset.done $0x0  }
0x24f: {  	[sflag:s22] =	ssyncadd.s32 $0xFFFFC000  }
0x250: {  	_ =	swait.ge [sflag:s23], $0x4000  }
0x251: {  	[sflag:s23] =	ssyncset.done $0x0  }
0x252: {  	s26 =	sadd.s32 $0x1, s26;
	[sflag:s23] =	ssyncadd.s32 $0xFFFFC000  }
0x253: {  	p0 =	sne.s32 s26, s9;
	_ =	swait.ge [sflag:s24], $0x4000  }
.Ltmp4:
0x254: {  	[sflag:s24] =	ssyncset.done $0x0;
	(pc) =	sbr.rel @p0 .LBB2_1-.Ltmp4, $4  }
0x255: {  	[sflag:s24] =	ssyncadd.s32 $0xFFFFC000  }
0x256: {  	_ =	swait.ge [sflag:s25], $0x4000  }
0x257: {  	[sflag:s25] =	ssyncset.done $0x0  }
0x258: {  	[sflag:s25] =	ssyncadd.s32 $0xFFFFC000  }
0x259: {  	_ =	sfence.sel $0x180000  }
0x25a: {  	[bflag:$0x0] =	sbarrier.arrive $0xFFFF  }
0x25b: {  	p0 =	sne.s32 s2, $0x0;
	_ =	strace $0x90000047  }
0x25c: {  	s0 =	sadd.s32 @!p0 $0x100000, s0;
	[bflag:$0x2] =	sbarrier.arrive $0xFFFF  }
0x25d: {  	[sflag:s0] =	ssyncadd.tile.s32 @!p0 $0x1;
	_ =	shalt  }
.Lfunc_end2:
_tile_overlayer_lowered:
.L_overlay_start_2:
0x25e: {  	(tag) =	ssettag $0x2  }
0x25f: {  	s0 =	rddreg [dreg:$0x0];
	s2 =	stileid.u32  }
0x260: {  	s1 =	rddreg [dreg:$0x1];
	p0 =	sne.s32 s2, $0x0  }
0x261: {  	s3 =	rddreg [dreg:$0x2];
	[bflag:$0x3] =	sbarrier.arrive $0xFFFF;
	s2 =	simm.s32 @!p0 $0x1C09  }
0x262: {  	[timem:s3], [sflag:s2] =	dma.local @!p0 [hbm:s0], s1  }
0x263: {  	s0 =	simm.s32 @!p0 $0x9  }
0x264: {  	_ =	swait.ge @!p0 [sflag:s0], s1  }
0x265: {  	s1 =	ssub.s32 @!p0 $0x0, s1;
	[sflag:s0] =	ssyncset.done @!p0 $0x0  }
0x266: {  	[sflag:s0] =	ssyncadd.s32 @!p0 s1  }
0x267: {  	[bflag:$0x3] =	sbarrier.arrive $0xFFFF  }
0x268: {  	_ =	shalt  }

</sc_bundles>
